<compile_context>
chip_gen: v7x
topology: tpu7x:2x2x1
jax: 0.10.2.dev20260603
libtpu: 0.0.44.dev20260713+nightly
codegen_flags: <defaults>
</compile_context>

<pallas_src>
import jax
import jax.numpy as jnp
from jax import lax
from jax.experimental import pallas as pl
from jax.experimental.pallas import tpu as pltpu
from jax.experimental.pallas import tpu_sc as plsc

NUM_REL = 6
NUM_HEADS = 32
SEQ = 64
LANES = 16
NW = 32
ROWS = SEQ // NW
CHUNKS = ROWS * SEQ // LANES


def _sc_relation_bias(w, idx):
    mesh = plsc.VectorSubcoreMesh(core_axis_name="c", subcore_axis_name="s")

    def body(w_hbm, idx_hbm, out_hbm, w_v, idx_v, out_v, wt_v, sem_w, sem_i):
        wid = lax.axis_index("s") * 2 + lax.axis_index("c")
        r0 = wid * ROWS
        cw = pltpu.async_copy(w_hbm, w_v, sem_w)
        ci = pltpu.async_copy(idx_hbm.at[pl.ds(r0, ROWS)], idx_v, sem_i)
        cw.wait()
        ci.wait()
        rvec = jnp.minimum(lax.iota(jnp.int32, LANES), NUM_REL - 1)
        for h in range(NUM_HEADS):
            hvec = jnp.full((LANES,), h, dtype=jnp.int32)
            wt_v[h] = plsc.load_gather(w_v, [rvec, hvec])
        chunks = [
            idx_v[c // (SEQ // LANES), pl.ds((c % (SEQ // LANES)) * LANES, LANES)]
            for c in range(CHUNKS)
        ]
        @plsc.parallel_loop(0, NUM_HEADS, step=1, unroll=8)
        def h_body(h):
            hvec = jnp.full((LANES,), h, dtype=jnp.int32)
            for c in range(CHUNKS):
                sl = pl.ds((c % (SEQ // LANES)) * LANES, LANES)
                out_v[h, c // (SEQ // LANES), sl] = plsc.load_gather(
                    wt_v, [hvec, chunks[c]]
                )

        pltpu.sync_copy(out_v, out_hbm.at[:, pl.ds(r0, ROWS), :])

    return pl.kernel(
        body,
        mesh=mesh,
        compiler_params=pltpu.CompilerParams(needs_layout_passes=False),
        out_type=jax.ShapeDtypeStruct((NUM_HEADS, SEQ, SEQ), jnp.float32),
        scratch_types=[
            pltpu.VMEM((NUM_REL, NUM_HEADS), jnp.float32),
            pltpu.VMEM((ROWS, SEQ), jnp.int32),
            pltpu.VMEM((NUM_HEADS, ROWS, SEQ), jnp.float32),
            pltpu.VMEM((NUM_HEADS, LANES), jnp.float32),
            pltpu.SemaphoreType.DMA,
            pltpu.SemaphoreType.DMA,
        ],
    )(w, idx)


def kernel(embedding_weight, relation_index):
    w = embedding_weight.astype(jnp.float32)
    idx = relation_index.astype(jnp.int32)
    return _sc_relation_bias(w, idx)

# --- scband reference (transcript-rebuilt; emitter-appended) ---
"""Pipeline reference for scband-relation-bias-53352083751466 (READ-ONLY COPY).

The authoritative reference and input builder live on the scoring server;
editing this copy changes nothing except your own understanding.
"""

import jax, jax.numpy as jnp
import numpy as np


def build_relation_index() -> np.ndarray:
    rel = np.zeros((64, 64), dtype=np.int64)
    for src in range(64):
        src_file = src % 8
        src_rank = src // 8
        for dst in range(64):
            if src == dst:
                relation = 0
            else:
                dst_file = dst % 8
                dst_rank = dst // 8
                file_delta = abs(src_file - dst_file)
                rank_delta = abs(src_rank - dst_rank)
                if src_rank == dst_rank:
                    relation = 1
                elif src_file == dst_file:
                    relation = 2
                elif file_delta == rank_delta:
                    relation = 3
                elif sorted((file_delta, rank_delta)) == [1, 2]:
                    relation = 4
                elif max(file_delta, rank_delta) == 1:
                    relation = 5
                else:
                    relation = 0
            rel[src, dst] = relation
    return rel


def setup_inputs(seed: int = 0) -> dict:
    key = jax.random.key(seed)
    k1, _ = jax.random.split(key)
    num_relations = 6
    num_heads = 32
    embedding_weight = jax.random.normal(k1, (num_relations, num_heads), dtype=jnp.float32)
    relation_index = jnp.asarray(build_relation_index(), dtype=jnp.int64)
    return {"embedding_weight": embedding_weight, "relation_index": relation_index}


def reference(embedding_weight, relation_index):
    # nn.Embedding lookup: gather rows of embedding_weight by relation_index -> [64, 64, H]
    bias = jnp.take(embedding_weight, relation_index, axis=0)
    # permute(2, 0, 1) -> [H, 64, 64]
    return jnp.transpose(bias, (2, 0, 1))

if __name__ == "__main__":
    import jax
    _d = setup_inputs()
    print(jax.jit(kernel)(*tuple(_d.values())))

</pallas_src>

<mosaic_0001>
#map = affine_map<(d0, d1) -> (0, 0)>
#map1 = affine_map<(d0, d1) -> (0, 0, 0)>
module attributes {stable_mosaic.version = 14 : i64} {
  func.func @body(%arg0: i32, %arg1: i32, %arg2: memref<6x32xf32, #tpu.memory_space<hbm>>, %arg3: memref<64x64xi32, #tpu.memory_space<hbm>>, %arg4: memref<32x64x64xf32, #tpu.memory_space<hbm>>, %arg5: memref<6x32xf32, #tpu.memory_space<vmem>>, %arg6: memref<2x64xi32, #tpu.memory_space<vmem>>, %arg7: memref<32x2x64xf32, #tpu.memory_space<vmem>>, %arg8: memref<32x16xf32, #tpu.memory_space<vmem>>, %arg9: memref<!tpu.dma_semaphore, #tpu.memory_space<semaphore_mem>>, %arg10: memref<!tpu.dma_semaphore, #tpu.memory_space<semaphore_mem>>) attributes {dimension_semantics = [#tpu.dimension_semantics<core_parallel>, #tpu.dimension_semantics<subcore_parallel>], iteration_bounds = array<i64: 2, 16>, scalar_prefetch = 0 : i64, scratch_operands = 6 : i64, tpu.core_type = #tpu.core_type<sc_vector_subcore>, window_params = [{transform_indices = #map}, {transform_indices = #map}, {transform_indices = #map1}]} {
    %mul3A = arith.constant 2 : i32
    %mul3A_0 = arith.muli %arg1, %mul3A : i32
    %add3A = arith.addi %mul3A_0, %arg0 : i32
    %mul3A_1 = arith.constant 2 : i32
    %mul3A_2 = arith.muli %add3A, %mul3A_1 : i32
    tpu.enqueue_dma source(%arg2 : memref<6x32xf32, #tpu.memory_space<hbm>>) target(%arg5 : memref<6x32xf32, #tpu.memory_space<vmem>>) target_semaphore(%arg9 : memref<!tpu.dma_semaphore, #tpu.memory_space<semaphore_mem>>)
    %dma_start3A = arith.constant 0 : i32
    %dma_start3A_3 = tpu.memref_slice %arg3[%mul3A_2, %dma_start3A] : memref<64x64xi32, #tpu.memory_space<hbm>> -> memref<2x64xi32, #tpu.memory_space<hbm>>
    %dma_start3A_4 = arith.constant 0 : i32
    %dma_start3A_5 = tpu.memref_slice %arg3[%mul3A_2, %dma_start3A_4] : memref<64x64xi32, #tpu.memory_space<hbm>> -> memref<2x64xi32, #tpu.memory_space<hbm>>
    tpu.enqueue_dma source(%dma_start3A_5 : memref<2x64xi32, #tpu.memory_space<hbm>>) target(%arg6 : memref<2x64xi32, #tpu.memory_space<vmem>>) target_semaphore(%arg10 : memref<!tpu.dma_semaphore, #tpu.memory_space<semaphore_mem>>)
    tpu.wait_dma2 semaphore(%arg9 : memref<!tpu.dma_semaphore, #tpu.memory_space<semaphore_mem>>) src(%arg2 : memref<6x32xf32, #tpu.memory_space<hbm>>) dst(%arg5 : memref<6x32xf32, #tpu.memory_space<vmem>>)
    %dma_wait3A = arith.constant 0 : i32
    %dma_wait3A_6 = tpu.memref_slice %arg3[%mul3A_2, %dma_wait3A] : memref<64x64xi32, #tpu.memory_space<hbm>> -> memref<2x64xi32, #tpu.memory_space<hbm>>
    %dma_wait3A_7 = arith.constant 0 : i32
    %dma_wait3A_8 = tpu.memref_slice %arg3[%mul3A_2, %dma_wait3A_7] : memref<64x64xi32, #tpu.memory_space<hbm>> -> memref<2x64xi32, #tpu.memory_space<hbm>>
    tpu.wait_dma2 semaphore(%arg10 : memref<!tpu.dma_semaphore, #tpu.memory_space<semaphore_mem>>) src(%dma_wait3A_8 : memref<2x64xi32, #tpu.memory_space<hbm>>) dst(%arg6 : memref<2x64xi32, #tpu.memory_space<vmem>>)
    %iota3A = tpu.iota {dimensions = array<i32: 0>} : vector<16xi32>
    %min3A = arith.constant 5 : i32
    %min3A_9 = vector.broadcast %min3A : i32 to vector<16xi32>
    %min3A_10 = arith.minsi %iota3A, %min3A_9 : vector<16xi32>
    %broadcast_in_dim3A = arith.constant 0 : i32
    %broadcast_in_dim3A_11 = vector.broadcast %broadcast_in_dim3A : i32 to vector<16xi32>
    %gather3A = tpu.vector_load_idx %arg5[%min3A_10, %broadcast_in_dim3A_11] : memref<6x32xf32, #tpu.memory_space<vmem>>[vector<16xi32>, vector<16xi32>], vector<16xf32>,
    %swap3A = arith.constant 0 : i32
    %swap3A_12 = arith.index_cast %swap3A : i32 to index
    %swap3A_13 = arith.constant 0 : index
    %swap3A_14 = tpu.vector_load %arg8[%swap3A_12, %swap3A_13] {strides = array<i32>} : memref<32x16xf32, #tpu.memory_space<vmem>>, vector<16xf32>,
    tpu.vector_store %arg8[%swap3A_12, %swap3A_13], %gather3A {strides = array<i32>} : memref<32x16xf32, #tpu.memory_space<vmem>>, vector<16xf32>,
    %broadcast_in_dim3A_15 = arith.constant 1 : i32
    %broadcast_in_dim3A_16 = vector.broadcast %broadcast_in_dim3A_15 : i32 to vector<16xi32>
    %gather3A_17 = tpu.vector_load_idx %arg5[%min3A_10, %broadcast_in_dim3A_16] : memref<6x32xf32, #tpu.memory_space<vmem>>[vector<16xi32>, vector<16xi32>], vector<16xf32>,
    %swap3A_18 = arith.constant 1 : i32
    %swap3A_19 = arith.index_cast %swap3A_18 : i32 to index
    %swap3A_20 = arith.constant 0 : index
    %swap3A_21 = tpu.vector_load %arg8[%swap3A_19, %swap3A_20] {strides = array<i32>} : memref<32x16xf32, #tpu.memory_space<vmem>>, vector<16xf32>,
    tpu.vector_store %arg8[%swap3A_19, %swap3A_20], %gather3A_17 {strides = array<i32>} : memref<32x16xf32, #tpu.memory_space<vmem>>, vector<16xf32>,
    %broadcast_in_dim3A_22 = arith.constant 2 : i32
    %broadcast_in_dim3A_23 = vector.broadcast %broadcast_in_dim3A_22 : i32 to vector<16xi32>
    %gather3A_24 = tpu.vector_load_idx %arg5[%min3A_10, %broadcast_in_dim3A_23] : memref<6x32xf32, #tpu.memory_space<vmem>>[vector<16xi32>, vector<16xi32>], vector<16xf32>,
    %swap3A_25 = arith.constant 2 : i32
    %swap3A_26 = arith.index_cast %swap3A_25 : i32 to index
    %swap3A_27 = arith.constant 0 : index
    %swap3A_28 = tpu.vector_load %arg8[%swap3A_26, %swap3A_27] {strides = array<i32>} : memref<32x16xf32, #tpu.memory_space<vmem>>, vector<16xf32>,
    tpu.vector_store %arg8[%swap3A_26, %swap3A_27], %gather3A_24 {strides = array<i32>} : memref<32x16xf32, #tpu.memory_space<vmem>>, vector<16xf32>,
    %broadcast_in_dim3A_29 = arith.constant 3 : i32
    %broadcast_in_dim3A_30 = vector.broadcast %broadcast_in_dim3A_29 : i32 to vector<16xi32>
    %gather3A_31 = tpu.vector_load_idx %arg5[%min3A_10, %broadcast_in_dim3A_30] : memref<6x32xf32, #tpu.memory_space<vmem>>[vector<16xi32>, vector<16xi32>], vector<16xf32>,
    %swap3A_32 = arith.constant 3 : i32
    %swap3A_33 = arith.index_cast %swap3A_32 : i32 to index
    %swap3A_34 = arith.constant 0 : index
    %swap3A_35 = tpu.vector_load %arg8[%swap3A_33, %swap3A_34] {strides = array<i32>} : memref<32x16xf32, #tpu.memory_space<vmem>>, vector<16xf32>,
    tpu.vector_store %arg8[%swap3A_33, %swap3A_34], %gather3A_31 {strides = array<i32>} : memref<32x16xf32, #tpu.memory_space<vmem>>, vector<16xf32>,
    %broadcast_in_dim3A_36 = arith.constant 4 : i32
    %broadcast_in_dim3A_37 = vector.broadcast %broadcast_in_dim3A_36 : i32 to vector<16xi32>
    %gather3A_38 = tpu.vector_load_idx %arg5[%min3A_10, %broadcast_in_dim3A_37] : memref<6x32xf32, #tpu.memory_space<vmem>>[vector<16xi32>, vector<16xi32>], vector<16xf32>,
    %swap3A_39 = arith.constant 4 : i32
    %swap3A_40 = arith.index_cast %swap3A_39 : i32 to index
    %swap3A_41 = arith.constant 0 : index
    %swap3A_42 = tpu.vector_load %arg8[%swap3A_40, %swap3A_41] {strides = array<i32>} : memref<32x16xf32, #tpu.memory_space<vmem>>, vector<16xf32>,
    tpu.vector_store %arg8[%swap3A_40, %swap3A_41], %gather3A_38 {strides = array<i32>} : memref<32x16xf32, #tpu.memory_space<vmem>>, vector<16xf32>,
    %broadcast_in_dim3A_43 = arith.constant 5 : i32
    %broadcast_in_dim3A_44 = vector.broadcast %broadcast_in_dim3A_43 : i32 to vector<16xi32>
    %gather3A_45 = tpu.vector_load_idx %arg5[%min3A_10, %broadcast_in_dim3A_44] : memref<6x32xf32, #tpu.memory_space<vmem>>[vector<16xi32>, vector<16xi32>], vector<16xf32>,
    %swap3A_46 = arith.constant 5 : i32
    %swap3A_47 = arith.index_cast %swap3A_46 : i32 to index
    %swap3A_48 = arith.constant 0 : index
    %swap3A_49 = tpu.vector_load %arg8[%swap3A_47, %swap3A_48] {strides = array<i32>} : memref<32x16xf32, #tpu.memory_space<vmem>>, vector<16xf32>,
    tpu.vector_store %arg8[%swap3A_47, %swap3A_48], %gather3A_45 {strides = array<i32>} : memref<32x16xf32, #tpu.memory_space<vmem>>, vector<16xf32>,
    %broadcast_in_dim3A_50 = arith.constant 6 : i32
    %broadcast_in_dim3A_51 = vector.broadcast %broadcast_in_dim3A_50 : i32 to vector<16xi32>
    %gather3A_52 = tpu.vector_load_idx %arg5[%min3A_10, %broadcast_in_dim3A_51] : memref<6x32xf32, #tpu.memory_space<vmem>>[vector<16xi32>, vector<16xi32>], vector<16xf32>,
    %swap3A_53 = arith.constant 6 : i32
    %swap3A_54 = arith.index_cast %swap3A_53 : i32 to index
    %swap3A_55 = arith.constant 0 : index
    %swap3A_56 = tpu.vector_load %arg8[%swap3A_54, %swap3A_55] {strides = array<i32>} : memref<32x16xf32, #tpu.memory_space<vmem>>, vector<16xf32>,
    tpu.vector_store %arg8[%swap3A_54, %swap3A_55], %gather3A_52 {strides = array<i32>} : memref<32x16xf32, #tpu.memory_space<vmem>>, vector<16xf32>,
    %broadcast_in_dim3A_57 = arith.constant 7 : i32
    %broadcast_in_dim3A_58 = vector.broadcast %broadcast_in_dim3A_57 : i32 to vector<16xi32>
    %gather3A_59 = tpu.vector_load_idx %arg5[%min3A_10, %broadcast_in_dim3A_58] : memref<6x32xf32, #tpu.memory_space<vmem>>[vector<16xi32>, vector<16xi32>], vector<16xf32>,
    %swap3A_60 = arith.constant 7 : i32
    %swap3A_61 = arith.index_cast %swap3A_60 : i32 to index
    %swap3A_62 = arith.constant 0 : index
    %swap3A_63 = tpu.vector_load %arg8[%swap3A_61, %swap3A_62] {strides = array<i32>} : memref<32x16xf32, #tpu.memory_space<vmem>>, vector<16xf32>,
    tpu.vector_store %arg8[%swap3A_61, %swap3A_62], %gather3A_59 {strides = array<i32>} : memref<32x16xf32, #tpu.memory_space<vmem>>, vector<16xf32>,
    %broadcast_in_dim3A_64 = arith.constant 8 : i32
    %broadcast_in_dim3A_65 = vector.broadcast %broadcast_in_dim3A_64 : i32 to vector<16xi32>
    %gather3A_66 = tpu.vector_load_idx %arg5[%min3A_10, %broadcast_in_dim3A_65] : memref<6x32xf32, #tpu.memory_space<vmem>>[vector<16xi32>, vector<16xi32>], vector<16xf32>,
    %swap3A_67 = arith.constant 8 : i32
    %swap3A_68 = arith.index_cast %swap3A_67 : i32 to index
    %swap3A_69 = arith.constant 0 : index
    %swap3A_70 = tpu.vector_load %arg8[%swap3A_68, %swap3A_69] {strides = array<i32>} : memref<32x16xf32, #tpu.memory_space<vmem>>, vector<16xf32>,
    tpu.vector_store %arg8[%swap3A_68, %swap3A_69], %gather3A_66 {strides = array<i32>} : memref<32x16xf32, #tpu.memory_space<vmem>>, vector<16xf32>,
    %broadcast_in_dim3A_71 = arith.constant 9 : i32
    %broadcast_in_dim3A_72 = vector.broadcast %broadcast_in_dim3A_71 : i32 to vector<16xi32>
    %gather3A_73 = tpu.vector_load_idx %arg5[%min3A_10, %broadcast_in_dim3A_72] : memref<6x32xf32, #tpu.memory_space<vmem>>[vector<16xi32>, vector<16xi32>], vector<16xf32>,
    %swap3A_74 = arith.constant 9 : i32
    %swap3A_75 = arith.index_cast %swap3A_74 : i32 to index
    %swap3A_76 = arith.constant 0 : index
    %swap3A_77 = tpu.vector_load %arg8[%swap3A_75, %swap3A_76] {strides = array<i32>} : memref<32x16xf32, #tpu.memory_space<vmem>>, vector<16xf32>,
    tpu.vector_store %arg8[%swap3A_75, %swap3A_76], %gather3A_73 {strides = array<i32>} : memref<32x16xf32, #tpu.memory_space<vmem>>, vector<16xf32>,
    %broadcast_in_dim3A_78 = arith.constant 10 : i32
    %broadcast_in_dim3A_79 = vector.broadcast %broadcast_in_dim3A_78 : i32 to vector<16xi32>
    %gather3A_80 = tpu.vector_load_idx %arg5[%min3A_10, %broadcast_in_dim3A_79] : memref<6x32xf32, #tpu.memory_space<vmem>>[vector<16xi32>, vector<16xi32>], vector<16xf32>,
    %swap3A_81 = arith.constant 10 : i32
    %swap3A_82 = arith.index_cast %swap3A_81 : i32 to index
    %swap3A_83 = arith.constant 0 : index
    %swap3A_84 = tpu.vector_load %arg8[%swap3A_82, %swap3A_83] {strides = array<i32>} : memref<32x16xf32, #tpu.memory_space<vmem>>, vector<16xf32>,
    tpu.vector_store %arg8[%swap3A_82, %swap3A_83], %gather3A_80 {strides = array<i32>} : memref<32x16xf32, #tpu.memory_space<vmem>>, vector<16xf32>,
    %broadcast_in_dim3A_85 = arith.constant 11 : i32
    %broadcast_in_dim3A_86 = vector.broadcast %broadcast_in_dim3A_85 : i32 to vector<16xi32>
    %gather3A_87 = tpu.vector_load_idx %arg5[%min3A_10, %broadcast_in_dim3A_86] : memref<6x32xf32, #tpu.memory_space<vmem>>[vector<16xi32>, vector<16xi32>], vector<16xf32>,
    %swap3A_88 = arith.constant 11 : i32
    %swap3A_89 = arith.index_cast %swap3A_88 : i32 to index
    %swap3A_90 = arith.constant 0 : index
    %swap3A_91 = tpu.vector_load %arg8[%swap3A_89, %swap3A_90] {strides = array<i32>} : memref<32x16xf32, #tpu.memory_space<vmem>>, vector<16xf32>,
    tpu.vector_store %arg8[%swap3A_89, %swap3A_90], %gather3A_87 {strides = array<i32>} : memref<32x16xf32, #tpu.memory_space<vmem>>, vector<16xf32>,
    %broadcast_in_dim3A_92 = arith.constant 12 : i32
    %broadcast_in_dim3A_93 = vector.broadcast %broadcast_in_dim3A_92 : i32 to vector<16xi32>
    %gather3A_94 = tpu.vector_load_idx %arg5[%min3A_10, %broadcast_in_dim3A_93] : memref<6x32xf32, #tpu.memory_space<vmem>>[vector<16xi32>, vector<16xi32>], vector<16xf32>,
    %swap3A_95 = arith.constant 12 : i32
    %swap3A_96 = arith.index_cast %swap3A_95 : i32 to index
    %swap3A_97 = arith.constant 0 : index
    %swap3A_98 = tpu.vector_load %arg8[%swap3A_96, %swap3A_97] {strides = array<i32>} : memref<32x16xf32, #tpu.memory_space<vmem>>, vector<16xf32>,
    tpu.vector_store %arg8[%swap3A_96, %swap3A_97], %gather3A_94 {strides = array<i32>} : memref<32x16xf32, #tpu.memory_space<vmem>>, vector<16xf32>,
    %broadcast_in_dim3A_99 = arith.constant 13 : i32
    %broadcast_in_dim3A_100 = vector.broadcast %broadcast_in_dim3A_99 : i32 to vector<16xi32>
    %gather3A_101 = tpu.vector_load_idx %arg5[%min3A_10, %broadcast_in_dim3A_100] : memref<6x32xf32, #tpu.memory_space<vmem>>[vector<16xi32>, vector<16xi32>], vector<16xf32>,
    %swap3A_102 = arith.constant 13 : i32
    %swap3A_103 = arith.index_cast %swap3A_102 : i32 to index
    %swap3A_104 = arith.constant 0 : index
    %swap3A_105 = tpu.vector_load %arg8[%swap3A_103, %swap3A_104] {strides = array<i32>} : memref<32x16xf32, #tpu.memory_space<vmem>>, vector<16xf32>,
    tpu.vector_store %arg8[%swap3A_103, %swap3A_104], %gather3A_101 {strides = array<i32>} : memref<32x16xf32, #tpu.memory_space<vmem>>, vector<16xf32>,
    %broadcast_in_dim3A_106 = arith.constant 14 : i32
    %broadcast_in_dim3A_107 = vector.broadcast %broadcast_in_dim3A_106 : i32 to vector<16xi32>
    %gather3A_108 = tpu.vector_load_idx %arg5[%min3A_10, %broadcast_in_dim3A_107] : memref<6x32xf32, #tpu.memory_space<vmem>>[vector<16xi32>, vector<16xi32>], vector<16xf32>,
    %swap3A_109 = arith.constant 14 : i32
    %swap3A_110 = arith.index_cast %swap3A_109 : i32 to index
    %swap3A_111 = arith.constant 0 : index
    %swap3A_112 = tpu.vector_load %arg8[%swap3A_110, %swap3A_111] {strides = array<i32>} : memref<32x16xf32, #tpu.memory_space<vmem>>, vector<16xf32>,
    tpu.vector_store %arg8[%swap3A_110, %swap3A_111], %gather3A_108 {strides = array<i32>} : memref<32x16xf32, #tpu.memory_space<vmem>>, vector<16xf32>,
    %broadcast_in_dim3A_113 = arith.constant 15 : i32
    %broadcast_in_dim3A_114 = vector.broadcast %broadcast_in_dim3A_113 : i32 to vector<16xi32>
    %gather3A_115 = tpu.vector_load_idx %arg5[%min3A_10, %broadcast_in_dim3A_114] : memref<6x32xf32, #tpu.memory_space<vmem>>[vector<16xi32>, vector<16xi32>], vector<16xf32>,
    %swap3A_116 = arith.constant 15 : i32
    %swap3A_117 = arith.index_cast %swap3A_116 : i32 to index
    %swap3A_118 = arith.constant 0 : index
    %swap3A_119 = tpu.vector_load %arg8[%swap3A_117, %swap3A_118] {strides = array<i32>} : memref<32x16xf32, #tpu.memory_space<vmem>>, vector<16xf32>,
    tpu.vector_store %arg8[%swap3A_117, %swap3A_118], %gather3A_115 {strides = array<i32>} : memref<32x16xf32, #tpu.memory_space<vmem>>, vector<16xf32>,
    %broadcast_in_dim3A_120 = arith.constant 16 : i32
    %broadcast_in_dim3A_121 = vector.broadcast %broadcast_in_dim3A_120 : i32 to vector<16xi32>
    %gather3A_122 = tpu.vector_load_idx %arg5[%min3A_10, %broadcast_in_dim3A_121] : memref<6x32xf32, #tpu.memory_space<vmem>>[vector<16xi32>, vector<16xi32>], vector<16xf32>,
    %swap3A_123 = arith.constant 16 : i32
    %swap3A_124 = arith.index_cast %swap3A_123 : i32 to index
    %swap3A_125 = arith.constant 0 : index
    %swap3A_126 = tpu.vector_load %arg8[%swap3A_124, %swap3A_125] {strides = array<i32>} : memref<32x16xf32, #tpu.memory_space<vmem>>, vector<16xf32>,
    tpu.vector_store %arg8[%swap3A_124, %swap3A_125], %gather3A_122 {strides = array<i32>} : memref<32x16xf32, #tpu.memory_space<vmem>>, vector<16xf32>,
    %broadcast_in_dim3A_127 = arith.constant 17 : i32
    %broadcast_in_dim3A_128 = vector.broadcast %broadcast_in_dim3A_127 : i32 to vector<16xi32>
    %gather3A_129 = tpu.vector_load_idx %arg5[%min3A_10, %broadcast_in_dim3A_128] : memref<6x32xf32, #tpu.memory_space<vmem>>[vector<16xi32>, vector<16xi32>], vector<16xf32>,
    %swap3A_130 = arith.constant 17 : i32
    %swap3A_131 = arith.index_cast %swap3A_130 : i32 to index
    %swap3A_132 = arith.constant 0 : index
    %swap3A_133 = tpu.vector_load %arg8[%swap3A_131, %swap3A_132] {strides = array<i32>} : memref<32x16xf32, #tpu.memory_space<vmem>>, vector<16xf32>,
    tpu.vector_store %arg8[%swap3A_131, %swap3A_132], %gather3A_129 {strides = array<i32>} : memref<32x16xf32, #tpu.memory_space<vmem>>, vector<16xf32>,
    %broadcast_in_dim3A_134 = arith.constant 18 : i32
    %broadcast_in_dim3A_135 = vector.broadcast %broadcast_in_dim3A_134 : i32 to vector<16xi32>
    %gather3A_136 = tpu.vector_load_idx %arg5[%min3A_10, %broadcast_in_dim3A_135] : memref<6x32xf32, #tpu.memory_space<vmem>>[vector<16xi32>, vector<16xi32>], vector<16xf32>,
    %swap3A_137 = arith.constant 18 : i32
    %swap3A_138 = arith.index_cast %swap3A_137 : i32 to index
    %swap3A_139 = arith.constant 0 : index
    %swap3A_140 = tpu.vector_load %arg8[%swap3A_138, %swap3A_139] {strides = array<i32>} : memref<32x16xf32, #tpu.memory_space<vmem>>, vector<16xf32>,
    tpu.vector_store %arg8[%swap3A_138, %swap3A_139], %gather3A_136 {strides = array<i32>} : memref<32x16xf32, #tpu.memory_space<vmem>>, vector<16xf32>,
    %broadcast_in_dim3A_141 = arith.constant 19 : i32
    %broadcast_in_dim3A_142 = vector.broadcast %broadcast_in_dim3A_141 : i32 to vector<16xi32>
    %gather3A_143 = tpu.vector_load_idx %arg5[%min3A_10, %broadcast_in_dim3A_142] : memref<6x32xf32, #tpu.memory_space<vmem>>[vector<16xi32>, vector<16xi32>], vector<16xf32>,
    %swap3A_144 = arith.constant 19 : i32
    %swap3A_145 = arith.index_cast %swap3A_144 : i32 to index
    %swap3A_146 = arith.constant 0 : index
    %swap3A_147 = tpu.vector_load %arg8[%swap3A_145, %swap3A_146] {strides = array<i32>} : memref<32x16xf32, #tpu.memory_space<vmem>>, vector<16xf32>,
    tpu.vector_store %arg8[%swap3A_145, %swap3A_146], %gather3A_143 {strides = array<i32>} : memref<32x16xf32, #tpu.memory_space<vmem>>, vector<16xf32>,
    %broadcast_in_dim3A_148 = arith.constant 20 : i32
    %broadcast_in_dim3A_149 = vector.broadcast %broadcast_in_dim3A_148 : i32 to vector<16xi32>
    %gather3A_150 = tpu.vector_load_idx %arg5[%min3A_10, %broadcast_in_dim3A_149] : memref<6x32xf32, #tpu.memory_space<vmem>>[vector<16xi32>, vector<16xi32>], vector<16xf32>,
    %swap3A_151 = arith.constant 20 : i32
    %swap3A_152 = arith.index_cast %swap3A_151 : i32 to index
    %swap3A_153 = arith.constant 0 : index
    %swap3A_154 = tpu.vector_load %arg8[%swap3A_152, %swap3A_153] {strides = array<i32>} : memref<32x16xf32, #tpu.memory_space<vmem>>, vector<16xf32>,
    tpu.vector_store %arg8[%swap3A_152, %swap3A_153], %gather3A_150 {strides = array<i32>} : memref<32x16xf32, #tpu.memory_space<vmem>>, vector<16xf32>,
    %broadcast_in_dim3A_155 = arith.constant 21 : i32
    %broadcast_in_dim3A_156 = vector.broadcast %broadcast_in_dim3A_155 : i32 to vector<16xi32>
    %gather3A_157 = tpu.vector_load_idx %arg5[%min3A_10, %broadcast_in_dim3A_156] : memref<6x32xf32, #tpu.memory_space<vmem>>[vector<16xi32>, vector<16xi32>], vector<16xf32>,
    %swap3A_158 = arith.constant 21 : i32
    %swap3A_159 = arith.index_cast %swap3A_158 : i32 to index
    %swap3A_160 = arith.constant 0 : index
    %swap3A_161 = tpu.vector_load %arg8[%swap3A_159, %swap3A_160] {strides = array<i32>} : memref<32x16xf32, #tpu.memory_space<vmem>>, vector<16xf32>,
    tpu.vector_store %arg8[%swap3A_159, %swap3A_160], %gather3A_157 {strides = array<i32>} : memref<32x16xf32, #tpu.memory_space<vmem>>, vector<16xf32>,
    %broadcast_in_dim3A_162 = arith.constant 22 : i32
    %broadcast_in_dim3A_163 = vector.broadcast %broadcast_in_dim3A_162 : i32 to vector<16xi32>
    %gather3A_164 = tpu.vector_load_idx %arg5[%min3A_10, %broadcast_in_dim3A_163] : memref<6x32xf32, #tpu.memory_space<vmem>>[vector<16xi32>, vector<16xi32>], vector<16xf32>,
    %swap3A_165 = arith.constant 22 : i32
    %swap3A_166 = arith.index_cast %swap3A_165 : i32 to index
    %swap3A_167 = arith.constant 0 : index
    %swap3A_168 = tpu.vector_load %arg8[%swap3A_166, %swap3A_167] {strides = array<i32>} : memref<32x16xf32, #tpu.memory_space<vmem>>, vector<16xf32>,
    tpu.vector_store %arg8[%swap3A_166, %swap3A_167], %gather3A_164 {strides = array<i32>} : memref<32x16xf32, #tpu.memory_space<vmem>>, vector<16xf32>,
    %broadcast_in_dim3A_169 = arith.constant 23 : i32
    %broadcast_in_dim3A_170 = vector.broadcast %broadcast_in_dim3A_169 : i32 to vector<16xi32>
    %gather3A_171 = tpu.vector_load_idx %arg5[%min3A_10, %broadcast_in_dim3A_170] : memref<6x32xf32, #tpu.memory_space<vmem>>[vector<16xi32>, vector<16xi32>], vector<16xf32>,
    %swap3A_172 = arith.constant 23 : i32
    %swap3A_173 = arith.index_cast %swap3A_172 : i32 to index
    %swap3A_174 = arith.constant 0 : index
    %swap3A_175 = tpu.vector_load %arg8[%swap3A_173, %swap3A_174] {strides = array<i32>} : memref<32x16xf32, #tpu.memory_space<vmem>>, vector<16xf32>,
    tpu.vector_store %arg8[%swap3A_173, %swap3A_174], %gather3A_171 {strides = array<i32>} : memref<32x16xf32, #tpu.memory_space<vmem>>, vector<16xf32>,
    %broadcast_in_dim3A_176 = arith.constant 24 : i32
    %broadcast_in_dim3A_177 = vector.broadcast %broadcast_in_dim3A_176 : i32 to vector<16xi32>
    %gather3A_178 = tpu.vector_load_idx %arg5[%min3A_10, %broadcast_in_dim3A_177] : memref<6x32xf32, #tpu.memory_space<vmem>>[vector<16xi32>, vector<16xi32>], vector<16xf32>,
    %swap3A_179 = arith.constant 24 : i32
    %swap3A_180 = arith.index_cast %swap3A_179 : i32 to index
    %swap3A_181 = arith.constant 0 : index
    %swap3A_182 = tpu.vector_load %arg8[%swap3A_180, %swap3A_181] {strides = array<i32>} : memref<32x16xf32, #tpu.memory_space<vmem>>, vector<16xf32>,
    tpu.vector_store %arg8[%swap3A_180, %swap3A_181], %gather3A_178 {strides = array<i32>} : memref<32x16xf32, #tpu.memory_space<vmem>>, vector<16xf32>,
    %broadcast_in_dim3A_183 = arith.constant 25 : i32
    %broadcast_in_dim3A_184 = vector.broadcast %broadcast_in_dim3A_183 : i32 to vector<16xi32>
    %gather3A_185 = tpu.vector_load_idx %arg5[%min3A_10, %broadcast_in_dim3A_184] : memref<6x32xf32, #tpu.memory_space<vmem>>[vector<16xi32>, vector<16xi32>], vector<16xf32>,
    %swap3A_186 = arith.constant 25 : i32
    %swap3A_187 = arith.index_cast %swap3A_186 : i32 to index
    %swap3A_188 = arith.constant 0 : index
    %swap3A_189 = tpu.vector_load %arg8[%swap3A_187, %swap3A_188] {strides = array<i32>} : memref<32x16xf32, #tpu.memory_space<vmem>>, vector<16xf32>,
    tpu.vector_store %arg8[%swap3A_187, %swap3A_188], %gather3A_185 {strides = array<i32>} : memref<32x16xf32, #tpu.memory_space<vmem>>, vector<16xf32>,
    %broadcast_in_dim3A_190 = arith.constant 26 : i32
    %broadcast_in_dim3A_191 = vector.broadcast %broadcast_in_dim3A_190 : i32 to vector<16xi32>
    %gather3A_192 = tpu.vector_load_idx %arg5[%min3A_10, %broadcast_in_dim3A_191] : memref<6x32xf32, #tpu.memory_space<vmem>>[vector<16xi32>, vector<16xi32>], vector<16xf32>,
    %swap3A_193 = arith.constant 26 : i32
    %swap3A_194 = arith.index_cast %swap3A_193 : i32 to index
    %swap3A_195 = arith.constant 0 : index
    %swap3A_196 = tpu.vector_load %arg8[%swap3A_194, %swap3A_195] {strides = array<i32>} : memref<32x16xf32, #tpu.memory_space<vmem>>, vector<16xf32>,
    tpu.vector_store %arg8[%swap3A_194, %swap3A_195], %gather3A_192 {strides = array<i32>} : memref<32x16xf32, #tpu.memory_space<vmem>>, vector<16xf32>,
    %broadcast_in_dim3A_197 = arith.constant 27 : i32
    %broadcast_in_dim3A_198 = vector.broadcast %broadcast_in_dim3A_197 : i32 to vector<16xi32>
    %gather3A_199 = tpu.vector_load_idx %arg5[%min3A_10, %broadcast_in_dim3A_198] : memref<6x32xf32, #tpu.memory_space<vmem>>[vector<16xi32>, vector<16xi32>], vector<16xf32>,
    %swap3A_200 = arith.constant 27 : i32
    %swap3A_201 = arith.index_cast %swap3A_200 : i32 to index
    %swap3A_202 = arith.constant 0 : index
    %swap3A_203 = tpu.vector_load %arg8[%swap3A_201, %swap3A_202] {strides = array<i32>} : memref<32x16xf32, #tpu.memory_space<vmem>>, vector<16xf32>,
    tpu.vector_store %arg8[%swap3A_201, %swap3A_202], %gather3A_199 {strides = array<i32>} : memref<32x16xf32, #tpu.memory_space<vmem>>, vector<16xf32>,
    %broadcast_in_dim3A_204 = arith.constant 28 : i32
    %broadcast_in_dim3A_205 = vector.broadcast %broadcast_in_dim3A_204 : i32 to vector<16xi32>
    %gather3A_206 = tpu.vector_load_idx %arg5[%min3A_10, %broadcast_in_dim3A_205] : memref<6x32xf32, #tpu.memory_space<vmem>>[vector<16xi32>, vector<16xi32>], vector<16xf32>,
    %swap3A_207 = arith.constant 28 : i32
    %swap3A_208 = arith.index_cast %swap3A_207 : i32 to index
    %swap3A_209 = arith.constant 0 : index
    %swap3A_210 = tpu.vector_load %arg8[%swap3A_208, %swap3A_209] {strides = array<i32>} : memref<32x16xf32, #tpu.memory_space<vmem>>, vector<16xf32>,
    tpu.vector_store %arg8[%swap3A_208, %swap3A_209], %gather3A_206 {strides = array<i32>} : memref<32x16xf32, #tpu.memory_space<vmem>>, vector<16xf32>,
    %broadcast_in_dim3A_211 = arith.constant 29 : i32
    %broadcast_in_dim3A_212 = vector.broadcast %broadcast_in_dim3A_211 : i32 to vector<16xi32>
    %gather3A_213 = tpu.vector_load_idx %arg5[%min3A_10, %broadcast_in_dim3A_212] : memref<6x32xf32, #tpu.memory_space<vmem>>[vector<16xi32>, vector<16xi32>], vector<16xf32>,
    %swap3A_214 = arith.constant 29 : i32
    %swap3A_215 = arith.index_cast %swap3A_214 : i32 to index
    %swap3A_216 = arith.constant 0 : index
    %swap3A_217 = tpu.vector_load %arg8[%swap3A_215, %swap3A_216] {strides = array<i32>} : memref<32x16xf32, #tpu.memory_space<vmem>>, vector<16xf32>,
    tpu.vector_store %arg8[%swap3A_215, %swap3A_216], %gather3A_213 {strides = array<i32>} : memref<32x16xf32, #tpu.memory_space<vmem>>, vector<16xf32>,
    %broadcast_in_dim3A_218 = arith.constant 30 : i32
    %broadcast_in_dim3A_219 = vector.broadcast %broadcast_in_dim3A_218 : i32 to vector<16xi32>
    %gather3A_220 = tpu.vector_load_idx %arg5[%min3A_10, %broadcast_in_dim3A_219] : memref<6x32xf32, #tpu.memory_space<vmem>>[vector<16xi32>, vector<16xi32>], vector<16xf32>,
    %swap3A_221 = arith.constant 30 : i32
    %swap3A_222 = arith.index_cast %swap3A_221 : i32 to index
    %swap3A_223 = arith.constant 0 : index
    %swap3A_224 = tpu.vector_load %arg8[%swap3A_222, %swap3A_223] {strides = array<i32>} : memref<32x16xf32, #tpu.memory_space<vmem>>, vector<16xf32>,
    tpu.vector_store %arg8[%swap3A_222, %swap3A_223], %gather3A_220 {strides = array<i32>} : memref<32x16xf32, #tpu.memory_space<vmem>>, vector<16xf32>,
    %broadcast_in_dim3A_225 = arith.constant 31 : i32
    %broadcast_in_dim3A_226 = vector.broadcast %broadcast_in_dim3A_225 : i32 to vector<16xi32>
    %gather3A_227 = tpu.vector_load_idx %arg5[%min3A_10, %broadcast_in_dim3A_226] : memref<6x32xf32, #tpu.memory_space<vmem>>[vector<16xi32>, vector<16xi32>], vector<16xf32>,
    %swap3A_228 = arith.constant 31 : i32
    %swap3A_229 = arith.index_cast %swap3A_228 : i32 to index
    %swap3A_230 = arith.constant 0 : index
    %swap3A_231 = tpu.vector_load %arg8[%swap3A_229, %swap3A_230] {strides = array<i32>} : memref<32x16xf32, #tpu.memory_space<vmem>>, vector<16xf32>,
    tpu.vector_store %arg8[%swap3A_229, %swap3A_230], %gather3A_227 {strides = array<i32>} : memref<32x16xf32, #tpu.memory_space<vmem>>, vector<16xf32>,
    %get3A = arith.constant 0 : i32
    %get3A_232 = arith.index_cast %get3A : i32 to index
    %get3A_233 = arith.constant 0 : index
    %get3A_234 = tpu.vector_load %arg6[%get3A_232, %get3A_233] {strides = array<i32>} : memref<2x64xi32, #tpu.memory_space<vmem>>, vector<16xi32>,
    %get3A_235 = arith.constant 0 : i32
    %get3A_236 = arith.index_cast %get3A_235 : i32 to index
    %get3A_237 = arith.constant 16 : index
    %get3A_238 = tpu.vector_load %arg6[%get3A_236, %get3A_237] {strides = array<i32>} : memref<2x64xi32, #tpu.memory_space<vmem>>, vector<16xi32>,
    %get3A_239 = arith.constant 0 : i32
    %get3A_240 = arith.index_cast %get3A_239 : i32 to index
    %get3A_241 = arith.constant 32 : index
    %get3A_242 = tpu.vector_load %arg6[%get3A_240, %get3A_241] {strides = array<i32>} : memref<2x64xi32, #tpu.memory_space<vmem>>, vector<16xi32>,
    %get3A_243 = arith.constant 0 : i32
    %get3A_244 = arith.index_cast %get3A_243 : i32 to index
    %get3A_245 = arith.constant 48 : index
    %get3A_246 = tpu.vector_load %arg6[%get3A_244, %get3A_245] {strides = array<i32>} : memref<2x64xi32, #tpu.memory_space<vmem>>, vector<16xi32>,
    %get3A_247 = arith.constant 1 : i32
    %get3A_248 = arith.index_cast %get3A_247 : i32 to index
    %get3A_249 = arith.constant 0 : index
    %get3A_250 = tpu.vector_load %arg6[%get3A_248, %get3A_249] {strides = array<i32>} : memref<2x64xi32, #tpu.memory_space<vmem>>, vector<16xi32>,
    %get3A_251 = arith.constant 1 : i32
    %get3A_252 = arith.index_cast %get3A_251 : i32 to index
    %get3A_253 = arith.constant 16 : index
    %get3A_254 = tpu.vector_load %arg6[%get3A_252, %get3A_253] {strides = array<i32>} : memref<2x64xi32, #tpu.memory_space<vmem>>, vector<16xi32>,
    %get3A_255 = arith.constant 1 : i32
    %get3A_256 = arith.index_cast %get3A_255 : i32 to index
    %get3A_257 = arith.constant 32 : index
    %get3A_258 = tpu.vector_load %arg6[%get3A_256, %get3A_257] {strides = array<i32>} : memref<2x64xi32, #tpu.memory_space<vmem>>, vector<16xi32>,
    %get3A_259 = arith.constant 1 : i32
    %get3A_260 = arith.index_cast %get3A_259 : i32 to index
    %get3A_261 = arith.constant 48 : index
    %get3A_262 = tpu.vector_load %arg6[%get3A_260, %get3A_261] {strides = array<i32>} : memref<2x64xi32, #tpu.memory_space<vmem>>, vector<16xi32>,
    %parallel_loop3A = arith.constant 0 : i32
    %parallel_loop3A_263 = arith.constant 32 : i32
    %parallel_loop3A_264 = arith.constant 1 : i32
    scf.for %parallel_loop3A_265 = %parallel_loop3A to %parallel_loop3A_263 step %parallel_loop3A_264  : i32 {
      %parallel_loop3A_266 = vector.broadcast %parallel_loop3A_265 : i32 to vector<16xi32>
      %parallel_loop3A_267 = tpu.vector_load_idx %arg8[%parallel_loop3A_266, %get3A_234] : memref<32x16xf32, #tpu.memory_space<vmem>>[vector<16xi32>, vector<16xi32>], vector<16xf32>,
      %parallel_loop3A_268 = arith.constant 0 : i32
      %parallel_loop3A_269 = arith.index_cast %parallel_loop3A_265 : i32 to index
      %parallel_loop3A_270 = arith.index_cast %parallel_loop3A_268 : i32 to index
      %parallel_loop3A_271 = arith.constant 0 : index
      %parallel_loop3A_272 = tpu.vector_load %arg7[%parallel_loop3A_269, %parallel_loop3A_270, %parallel_loop3A_271] {strides = array<i32>} : memref<32x2x64xf32, #tpu.memory_space<vmem>>, vector<16xf32>,
      tpu.vector_store %arg7[%parallel_loop3A_269, %parallel_loop3A_270, %parallel_loop3A_271], %parallel_loop3A_267 {strides = array<i32>} : memref<32x2x64xf32, #tpu.memory_space<vmem>>, vector<16xf32>,
      %parallel_loop3A_273 = tpu.vector_load_idx %arg8[%parallel_loop3A_266, %get3A_238] : memref<32x16xf32, #tpu.memory_space<vmem>>[vector<16xi32>, vector<16xi32>], vector<16xf32>,
      %parallel_loop3A_274 = arith.constant 0 : i32
      %parallel_loop3A_275 = arith.index_cast %parallel_loop3A_265 : i32 to index
      %parallel_loop3A_276 = arith.index_cast %parallel_loop3A_274 : i32 to index
      %parallel_loop3A_277 = arith.constant 16 : index
      %parallel_loop3A_278 = tpu.vector_load %arg7[%parallel_loop3A_275, %parallel_loop3A_276, %parallel_loop3A_277] {strides = array<i32>} : memref<32x2x64xf32, #tpu.memory_space<vmem>>, vector<16xf32>,
      tpu.vector_store %arg7[%parallel_loop3A_275, %parallel_loop3A_276, %parallel_loop3A_277], %parallel_loop3A_273 {strides = array<i32>} : memref<32x2x64xf32, #tpu.memory_space<vmem>>, vector<16xf32>,
      %parallel_loop3A_279 = tpu.vector_load_idx %arg8[%parallel_loop3A_266, %get3A_242] : memref<32x16xf32, #tpu.memory_space<vmem>>[vector<16xi32>, vector<16xi32>], vector<16xf32>,
      %parallel_loop3A_280 = arith.constant 0 : i32
      %parallel_loop3A_281 = arith.index_cast %parallel_loop3A_265 : i32 to index
      %parallel_loop3A_282 = arith.index_cast %parallel_loop3A_280 : i32 to index
      %parallel_loop3A_283 = arith.constant 32 : index
      %parallel_loop3A_284 = tpu.vector_load %arg7[%parallel_loop3A_281, %parallel_loop3A_282, %parallel_loop3A_283] {strides = array<i32>} : memref<32x2x64xf32, #tpu.memory_space<vmem>>, vector<16xf32>,
      tpu.vector_store %arg7[%parallel_loop3A_281, %parallel_loop3A_282, %parallel_loop3A_283], %parallel_loop3A_279 {strides = array<i32>} : memref<32x2x64xf32, #tpu.memory_space<vmem>>, vector<16xf32>,
      %parallel_loop3A_285 = tpu.vector_load_idx %arg8[%parallel_loop3A_266, %get3A_246] : memref<32x16xf32, #tpu.memory_space<vmem>>[vector<16xi32>, vector<16xi32>], vector<16xf32>,
      %parallel_loop3A_286 = arith.constant 0 : i32
      %parallel_loop3A_287 = arith.index_cast %parallel_loop3A_265 : i32 to index
      %parallel_loop3A_288 = arith.index_cast %parallel_loop3A_286 : i32 to index
      %parallel_loop3A_289 = arith.constant 48 : index
      %parallel_loop3A_290 = tpu.vector_load %arg7[%parallel_loop3A_287, %parallel_loop3A_288, %parallel_loop3A_289] {strides = array<i32>} : memref<32x2x64xf32, #tpu.memory_space<vmem>>, vector<16xf32>,
      tpu.vector_store %arg7[%parallel_loop3A_287, %parallel_loop3A_288, %parallel_loop3A_289], %parallel_loop3A_285 {strides = array<i32>} : memref<32x2x64xf32, #tpu.memory_space<vmem>>, vector<16xf32>,
      %parallel_loop3A_291 = tpu.vector_load_idx %arg8[%parallel_loop3A_266, %get3A_250] : memref<32x16xf32, #tpu.memory_space<vmem>>[vector<16xi32>, vector<16xi32>], vector<16xf32>,
      %parallel_loop3A_292 = arith.constant 1 : i32
      %parallel_loop3A_293 = arith.index_cast %parallel_loop3A_265 : i32 to index
      %parallel_loop3A_294 = arith.index_cast %parallel_loop3A_292 : i32 to index
      %parallel_loop3A_295 = arith.constant 0 : index
      %parallel_loop3A_296 = tpu.vector_load %arg7[%parallel_loop3A_293, %parallel_loop3A_294, %parallel_loop3A_295] {strides = array<i32>} : memref<32x2x64xf32, #tpu.memory_space<vmem>>, vector<16xf32>,
      tpu.vector_store %arg7[%parallel_loop3A_293, %parallel_loop3A_294, %parallel_loop3A_295], %parallel_loop3A_291 {strides = array<i32>} : memref<32x2x64xf32, #tpu.memory_space<vmem>>, vector<16xf32>,
      %parallel_loop3A_297 = tpu.vector_load_idx %arg8[%parallel_loop3A_266, %get3A_254] : memref<32x16xf32, #tpu.memory_space<vmem>>[vector<16xi32>, vector<16xi32>], vector<16xf32>,
      %parallel_loop3A_298 = arith.constant 1 : i32
      %parallel_loop3A_299 = arith.index_cast %parallel_loop3A_265 : i32 to index
      %parallel_loop3A_300 = arith.index_cast %parallel_loop3A_298 : i32 to index
      %parallel_loop3A_301 = arith.constant 16 : index
      %parallel_loop3A_302 = tpu.vector_load %arg7[%parallel_loop3A_299, %parallel_loop3A_300, %parallel_loop3A_301] {strides = array<i32>} : memref<32x2x64xf32, #tpu.memory_space<vmem>>, vector<16xf32>,
      tpu.vector_store %arg7[%parallel_loop3A_299, %parallel_loop3A_300, %parallel_loop3A_301], %parallel_loop3A_297 {strides = array<i32>} : memref<32x2x64xf32, #tpu.memory_space<vmem>>, vector<16xf32>,
      %parallel_loop3A_303 = tpu.vector_load_idx %arg8[%parallel_loop3A_266, %get3A_258] : memref<32x16xf32, #tpu.memory_space<vmem>>[vector<16xi32>, vector<16xi32>], vector<16xf32>,
      %parallel_loop3A_304 = arith.constant 1 : i32
      %parallel_loop3A_305 = arith.index_cast %parallel_loop3A_265 : i32 to index
      %parallel_loop3A_306 = arith.index_cast %parallel_loop3A_304 : i32 to index
      %parallel_loop3A_307 = arith.constant 32 : index
      %parallel_loop3A_308 = tpu.vector_load %arg7[%parallel_loop3A_305, %parallel_loop3A_306, %parallel_loop3A_307] {strides = array<i32>} : memref<32x2x64xf32, #tpu.memory_space<vmem>>, vector<16xf32>,
      tpu.vector_store %arg7[%parallel_loop3A_305, %parallel_loop3A_306, %parallel_loop3A_307], %parallel_loop3A_303 {strides = array<i32>} : memref<32x2x64xf32, #tpu.memory_space<vmem>>, vector<16xf32>,
      %parallel_loop3A_309 = tpu.vector_load_idx %arg8[%parallel_loop3A_266, %get3A_262] : memref<32x16xf32, #tpu.memory_space<vmem>>[vector<16xi32>, vector<16xi32>], vector<16xf32>,
      %parallel_loop3A_310 = arith.constant 1 : i32
      %parallel_loop3A_311 = arith.index_cast %parallel_loop3A_265 : i32 to index
      %parallel_loop3A_312 = arith.index_cast %parallel_loop3A_310 : i32 to index
      %parallel_loop3A_313 = arith.constant 48 : index
      %parallel_loop3A_314 = tpu.vector_load %arg7[%parallel_loop3A_311, %parallel_loop3A_312, %parallel_loop3A_313] {strides = array<i32>} : memref<32x2x64xf32, #tpu.memory_space<vmem>>, vector<16xf32>,
      tpu.vector_store %arg7[%parallel_loop3A_311, %parallel_loop3A_312, %parallel_loop3A_313], %parallel_loop3A_309 {strides = array<i32>} : memref<32x2x64xf32, #tpu.memory_space<vmem>>, vector<16xf32>,
    } {sc.loop_unroll_factor = 8 : i64, sc.parallel_access}
    "tpu.region"() ({
      %run_scoped3A = tpu.sem_alloc : memref<!tpu.dma_semaphore, #tpu.memory_space<semaphore_mem>>
      %dma_start3A_265 = arith.constant 0 : i32
      %dma_start3A_266 = arith.constant 0 : i32
      %dma_start3A_267 = tpu.memref_slice %arg4[%dma_start3A_265, %mul3A_2, %dma_start3A_266] : memref<32x64x64xf32, #tpu.memory_space<hbm>> -> memref<32x2x64xf32, #tpu.memory_space<hbm>>
      %dma_start3A_268 = arith.constant 0 : i32
      %dma_start3A_269 = arith.constant 0 : i32
      %dma_start3A_270 = tpu.memref_slice %arg4[%dma_start3A_268, %mul3A_2, %dma_start3A_269] : memref<32x64x64xf32, #tpu.memory_space<hbm>> -> memref<32x2x64xf32, #tpu.memory_space<hbm>>
      tpu.enqueue_dma source(%arg7 : memref<32x2x64xf32, #tpu.memory_space<vmem>>) target(%dma_start3A_270 : memref<32x2x64xf32, #tpu.memory_space<hbm>>) target_semaphore(%run_scoped3A : memref<!tpu.dma_semaphore, #tpu.memory_space<semaphore_mem>>)
      %dma_wait3A_271 = arith.constant 0 : i32
      %dma_wait3A_272 = arith.constant 0 : i32
      %dma_wait3A_273 = tpu.memref_slice %arg4[%dma_wait3A_271, %mul3A_2, %dma_wait3A_272] : memref<32x64x64xf32, #tpu.memory_space<hbm>> -> memref<32x2x64xf32, #tpu.memory_space<hbm>>
      %dma_wait3A_274 = arith.constant 0 : i32
      %dma_wait3A_275 = arith.constant 0 : i32
      %dma_wait3A_276 = tpu.memref_slice %arg4[%dma_wait3A_274, %mul3A_2, %dma_wait3A_275] : memref<32x64x64xf32, #tpu.memory_space<hbm>> -> memref<32x2x64xf32, #tpu.memory_space<hbm>>
      tpu.wait_dma2 semaphore(%run_scoped3A : memref<!tpu.dma_semaphore, #tpu.memory_space<semaphore_mem>>) src(%arg7 : memref<32x2x64xf32, #tpu.memory_space<vmem>>) dst(%dma_wait3A_276 : memref<32x2x64xf32, #tpu.memory_space<hbm>>)
      tpu.yield
    }) : () -> ()
    return
  }
}

</mosaic_0001>

<sc_bundles>
// kernel: kernel.3.cloned.1.call-start
scs
__scs_entry_jumppad:
0x0: {  	(pc) =	sbr.rel $0x88, $3  }
0x1: {  	(tag) =	ssettag $0x0;
	lr =	simm.s32 $0x1  }
0x2: {  	[smem:$0x3F9F] =	sst lr;
	_ =	strace $0xD0000000  }
0x3: {  	_ = 	snop  }
0x4: {  	_ = 	snop  }
0x5: {  	_ = 	snop  }
0x6: {  	_ = 	snop  }
0x7: {  	_ = 	snop  }
__scs_overlays_trampoline_lowered:
0x8: {  	[smem:$0x3FAE] =	sst s0  }
0x9: {  	[smem:$0x3FAF] =	sst s1  }
0xa: {  	[smem:$0x3FB0] =	sst s2  }
0xb: {  	[smem:$0x3FB1] =	sst s3  }
0xc: {  	[smem:$0x3FB2] =	sst s4  }
0xd: {  	[smem:$0x3FB3] =	sst s5  }
0xe: {  	[smem:$0x3FB4] =	sst s6  }
0xf: {  	[smem:$0x3FB5] =	sst s7  }
0x10: {  	[smem:$0x3FB6] =	sst s8  }
0x11: {  	[smem:$0x3FB7] =	sst s9;
	s0 =	simm.s32 @!p0 $0x0  }
0x12: {  	s1 =	sld [smem:$0x3F9D];
	s0 =	simm.s32 @p0 $0x1  }
0x13: {  	[smem:$0x3FB8] =	sst s0;
	s0 =	simm.s32 @!p1 $0x0  }
0x14: {  	s2 =	sld [smem:$0x3F9C];
	s0 =	simm.s32 @p1 $0x1  }
0x15: {  	[smem:$0x3FB9] =	sst s0;
	s0 =	simm.s32 @!p2 $0x0  }
0x16: {  	s3 =	sld [smem:$0x3FDB];
	s0 =	simm.s32 @p2 $0x1  }
0x17: {  	s4 =	simm.s32 $0x1BF5;
	[smem:$0x3FBB] =	sst s0  }
0x18: {  	s0 =	sld [smem:$0x3F9E];
	_ =	swait.ge [sflag:s4], $0x0  }
0x19: {  	s7 =	sld [smem:$0x3F9F]  }
0x1a: {  	s8 =	sadd.s32 $0xFFFFE003, lr  }
0x1b: {  	s9 =	sadd.s32 $0xFFFFFEF7, lr;
	s5 =	simm.s32 $0xFFFFFFFF;
	p2 =	slt.u32 s8, $0xFFFFF086  }
0x1c: {  	p1 =	slt.u32 s9, $0xF7A;
	s5 =	simm.s32 @!p2 $0x0  }
0x1d: {  	s5 =	simm.s32 @p1 $0x1;
	p0 =	seq.s32 s7, s2  }
0x1e: {  	s7 =	smul.u32 @!p0 $0xF7A, s2;
	p2 =	seq.s32 @!p0 s5, $0x0  }
0x1f: {  	s9 =	smul.u32 $0xF7A, s1;
	s8 =	simm.s32 @!p0 $0x1BF5;
	p2 =	por !p2, p0  }
0x20: {  	[sflag:s8] =	ssyncset.s32 @!p0 $0xFFFFF086;
	s6 =	sadd.s32 @!p0 s3, s7;
	s7 =	simm.s32 @!p0 $0x108  }
0x21: {  	s3 =	sadd.s32 s3, s9;
	s6 =	sadd.s32 @!p0 $0x88, s6;
	s7 =	simm.s32 @p2 $0x1082  }
0x22: {  	[simem:s7], [sflag:s8] =	dma.local @!p0 [hbm:s6], $0xF7A  }
0x23: {  	s9 =	sor.u32 $0xD0000000, s2;
	s6 =	simm.s32 $0x108;
	_ =	swait.ge @!p0 [sflag:s8], $0x0  }
0x24: {  	s3 =	sadd.s32 $0x88, s3;
	s6 =	simm.s32 @!p1 $0x1082;
	[sflag:s4] =	ssyncset.s32 $0xFFFFF086  }
0x25: {  	[simem:s6], [sflag:s4] =	dma.local [hbm:s3], $0xF7A  }
0x26: {  	[smem:$0x3F9F] =	sst s1;
	(tag) =	ssettag s2;
	_ =	strace s9  }
0x27: {  	s1 =	sld [smem:$0x3FAF]  }
0x28: {  	s2 =	sld [smem:$0x3FB0]  }
0x29: {  	s4 =	sld [smem:$0x3FB2]  }
0x2a: {  	p0 =	seq.s32 s5, $0x0;
	s5 =	sld [smem:$0x3FB3]  }
0x2b: {  	s6 =	sld [smem:$0x3FB4]  }
0x2c: {  	s7 =	sld [smem:$0x3FB5]  }
0x2d: {  	s3 =	simm.s32 $0x108;
	s8 =	sld [smem:$0x3FB6]  }
0x2e: {  	s3 =	simm.s32 @!p0 $0x1082;
	s9 =	sld [smem:$0x3FB7]  }
0x2f: {  	lr =	sadd.s32 s0, s3;
	s0 =	sld [smem:$0x3FAE]  }
0x30: {  	s3 =	sld [smem:$0x3FB1]  }
0x31: {  	[smem:$0x3FBA] =	sst s10  }
0x32: {  	s10 =	sld [smem:$0x3FB8];
	_ =	sdelay $0x3  }
0x33: {  	p0 =	seq.s32 s10, $0x1;
	s10 =	sld [smem:$0x3FBA];
	_ =	sdelay $0x3  }
0x34: {  	[smem:$0x3FBA] =	sst s10  }
0x35: {  	s10 =	sld [smem:$0x3FB9];
	_ =	sdelay $0x3  }
0x36: {  	p1 =	seq.s32 s10, $0x1;
	s10 =	sld [smem:$0x3FBA];
	_ =	sdelay $0x3  }
0x37: {  	[smem:$0x3FBA] =	sst s10  }
0x38: {  	s10 =	sld [smem:$0x3FBB]  }
0x39: {  	_ = 	snop;
	(pc) =	sbr.ind lr, $3  }
0x3a: {  	_ = 	snop  }
0x3b: {  	_ = 	snop  }
0x3c: {  	p2 =	seq.s32 s10, $0x1;
	s10 =	sld [smem:$0x3FBA]  }
0x3d: {  	_ =	shalt  }
0x3e: {  	_ =	shalt  }
0x3f: {  	_ =	shalt  }
0x40: {  	_ =	shalt  }
0x41: {  	_ =	shalt  }
0x42: {  	_ =	shalt  }
0x43: {  	_ =	shalt  }
0x44: {  	_ =	shalt  }
0x45: {  	_ =	shalt  }
0x46: {  	_ =	shalt  }
0x47: {  	_ =	shalt  }
0x48: {  	_ =	shalt  }
0x49: {  	_ =	shalt  }
0x4a: {  	_ =	shalt  }
0x4b: {  	_ =	shalt  }
0x4c: {  	_ =	shalt  }
0x4d: {  	_ =	shalt  }
0x4e: {  	_ =	shalt  }
0x4f: {  	_ =	shalt  }
0x50: {  	_ =	shalt  }
0x51: {  	_ =	shalt  }
0x52: {  	_ =	shalt  }
0x53: {  	_ =	shalt  }
0x54: {  	_ =	shalt  }
0x55: {  	_ =	shalt  }
0x56: {  	_ =	shalt  }
0x57: {  	_ =	shalt  }
0x58: {  	_ =	shalt  }
0x59: {  	_ =	shalt  }
0x5a: {  	_ =	shalt  }
0x5b: {  	_ =	shalt  }
0x5c: {  	_ =	shalt  }
0x5d: {  	_ =	shalt  }
0x5e: {  	_ =	shalt  }
0x5f: {  	_ =	shalt  }
0x60: {  	_ =	shalt  }
0x61: {  	_ =	shalt  }
0x62: {  	_ =	shalt  }
0x63: {  	_ =	shalt  }
0x64: {  	_ =	shalt  }
0x65: {  	_ =	shalt  }
0x66: {  	_ =	shalt  }
0x67: {  	_ =	shalt  }
0x68: {  	_ =	shalt  }
0x69: {  	_ =	shalt  }
0x6a: {  	_ =	shalt  }
0x6b: {  	_ =	shalt  }
0x6c: {  	_ =	shalt  }
0x6d: {  	_ =	shalt  }
0x6e: {  	_ =	shalt  }
0x6f: {  	_ =	shalt  }
0x70: {  	_ =	shalt  }
0x71: {  	_ =	shalt  }
0x72: {  	_ =	shalt  }
0x73: {  	_ =	shalt  }
0x74: {  	_ =	shalt  }
0x75: {  	_ =	shalt  }
0x76: {  	_ =	shalt  }
0x77: {  	_ =	shalt  }
0x78: {  	_ =	shalt  }
0x79: {  	_ =	shalt  }
0x7a: {  	_ =	shalt  }
0x7b: {  	_ =	shalt  }
0x7c: {  	_ =	shalt  }
0x7d: {  	_ =	shalt  }
0x7e: {  	_ =	shalt  }
0x7f: {  	_ =	shalt  }
0x80: {  	_ =	shalt  }
0x81: {  	_ =	shalt  }
0x82: {  	_ =	shalt  }
0x83: {  	_ =	shalt  }
0x84: {  	_ =	shalt  }
0x85: {  	_ =	shalt  }
0x86: {  	_ =	shalt  }
0x87: {  	_ =	shalt  }
.Lfunc_end0:
.L_simem_size_0:
called_computation_lowered:
.L_overlay_start_0:
0x88: {  	s2 =	sld [smem:$0x3FD9]  }
0x89: {  	s3 =	sld [smem:$0x3FFE];
	_ =	sdelay $0x1  }
0x8a: {  	s1 =	srdreg.scid  }
0x8b: {  	s0 =	sand.u32 $0x1, s1  }
0x8c: {  	s18 =	sshll.u32 s0, $0xA;
	s2 =	sadd.s32 s3, s2  }
0x8d: {  	s2 =	sadd.s32 s2, s18  }
0x8e: {  	[smem:$0x3FC6] =	sst s2  }
0x8f: {  	_ = 	snop  }
0x90: {  	s2 =	sld [smem:$0x3FC9]  }
0x91: {  	s19 =	sld [smem:$0x3FC8]  }
0x92: {  	s4 =	sld [smem:$0x3FD0];
	(tm) =	ssettm $0x1  }
0x93: {  	s5 =	sld [smem:$0x3FFB];
	_ =	sdelay $0x3  }
0x94: {  	_ =	strace s5  }
0x95: {  	s5 =	sld [smem:$0x3FFC];
	_ =	sdelay $0x3  }
0x96: {  	_ =	strace s5  }
0x97: {  	s5 =	sld [smem:$0x3FFD];
	_ =	sdelay $0x3  }
0x98: {  	_ =	strace s5  }
0x99: {  	_ =	strace $0x8FFFFFFF  }
0x9a: {  	s20 =	sld [smem:$0x3FDB];
	_ =	sdelay $0x1  }
0x9b: {  	s6 =	simm.s32 $_scs_section_size  }
0x9c: {  	s7 =	simm.s32 $_size__tile_overlayer_lowered;
	s8 =	simm.s32 $_tile_overlayer_lowered  }
0x9d: {  	s23 =	simm.s32 $0x1BFF;
	s22 =	sshll.u32 s8, $0x1;
	s5 =	sadd.s32 s6, s20  }
0x9e: {  	s9 =	simm.s32 $0x0;
	s21 =	sshll.u32 s7, $0x1;
	s7 =	sadd.s32 s22, s5  }
0x9f: {  	[timem:s9], [sflag:s23] =	dma.local [hbm:s7], s21  }
0xa0: {  	_ =	swait.ge [sflag:s23], s21  }
0xa1: {  	s6 =	ssub.s32 $0x0, s21;
	[sflag:s23] =	ssyncset.done $0x0  }
0xa2: {  	[sflag:s23] =	ssyncadd.s32 s6;
	_ =	sdelay $0x1  }
0xa3: {  	s24 =	simm.s32 $0x1B8B  }
0xa4: {  	_ =	swait.ge [sflag:s24], $0x1  }
0xa5: {  	[sflag:s24] =	ssyncset.done $0x0  }
0xa6: {  	s25 =	simm.s32 $0x1B8E;
	[sflag:s24] =	ssyncadd.s32 $0xFFFFFFFF  }
0xa7: {  	s26 =	simm.s32 $execute0_lowered;
	[smem:$0x3FD2] =	sst s25  }
0xa8: {  	s6 =	sshll.u32 s26, $0x1;
	_ =	strace $0x80000046;
	[dreg:$0x1] =	wrdreg $0xFFFFFFFF  }
0xa9: {  	s28 =	simm.s32 $_size_execute0_lowered;
	s5 =	sadd.s32 s5, s6;
	[dreg:$0x0] =	wrdreg $0x0  }
0xaa: {  	s6 =	sshll.u32 s28, $0x1;
	[dreg:$0x2] =	wrdreg s5  }
0xab: {  	[dreg:$0x3] =	wrdreg s6  }
0xac: {  	[dreg:$0x4] =	wrdreg $0xC0  }
0xad: {  	_ =	task [dreg:s9], $0x5FFFF  }
0xae: {  	[dreg:$0x1] =	wrdreg $0xFFFFFFFF  }
0xaf: {  	[dreg:$0x0] =	wrdreg $0x60  }
0xb0: {  	[dreg:$0x2] =	wrdreg s2  }
0xb1: {  	[dreg:$0x3] =	wrdreg s19  }
0xb2: {  	[dreg:$0x4] =	wrdreg s4  }
0xb3: {  	[dreg:$0x5] =	wrdreg $0x9  }
0xb4: {  	_ =	task.clear_ibuf [dreg:s9], $0x6FFFF;
	_ =	strace $0x90000046  }
0xb5: {  	s29 =	simm.s32 $0x9;
	_ =	strace $0x80000048  }
0xb6: {  	_ =	swait.ge [sflag:s29], $0x1  }
0xb7: {  	[sflag:s29] =	ssyncadd.s32 $0xFFFFFFFF  }
0xb8: {  	_ =	strace $0x90000048  }
0xb9: {  	_ =	sfence  }
0xba: {  	s30 =	sld [smem:$0x0];
	_ =	sdelay $0x2  }
0xbb: {  	s31 =	sshll.u32 s1, $0xD;
	s1 =	sshrl.u32 s1, $0x2  }
0xbc: {  	s3 =	sand.u32 $0x4000, s31;
	s1 =	sadd.s32 s1, s30  }
0xbd: {  	s0 =	sor.u32 s3, s0;
	s1 =	sshll.u32 s1, $0x11  }
0xbe: {  	s0 =	sor.u32 s1, s0  }
0xbf: {  	s0 =	sadd.s32 $0x8F2B, s0  }
0xc0: {  	[sflag:s0] =	ssyncadd.remote.s32 $0x1  }
0xc1: {  	_ =	sfence.sel $0xFFFF  }
0xc2: {  	[dreg:$0x0] =	wrdreg $0xFFFFFFFF;
	(pc) =	sbr.abs _section_cstart, $3  }
0xc3: {  	[dreg:$0x1] =	wrdreg $0xFFFFFFFF  }
0xc4: {  	_ =	task.clear_ibuf [dreg:s9], $0x2FFFF;
	_ =	strace $0x9FFFFFFF  }
0xc5: {  	(tm) =	ssettm $0x7FFFFFFF  }
tec
execute0_lowered:
.L_overlay_start_1:
0x0: {  	(tag) =	ssettag $0x1  }
0x1: {  	v0 =	vimm.s32 $0x280;
	vm4 =	vcmask $0x300  }
0x2: {  	v1 =	vimm.s32 $0x281;
	vm3 =	vcmask $0x704;
	vm1 =	vcmask $0xB08  }
0x3: {  	vm2 =	vcmask $0xF0C;
	vm0 =	vcmask $0x1310;
	v2 =	vimm.s32 $0x282  }
0x4: {  	v3 =	vimm.s32 $0x283;
	v4 =	vimm.s32 $0x284;
	v5 =	vimm.s32 $0x285  }
0x5: {  	v6 =	vimm.s32 $0x286;
	v7 =	vimm.s32 $0x287;
	v8 =	vimm.s32 $0x288  }
0x6: {  	v9 =	vimm.s32 $0x289;
	v10 =	vimm.s32 $0x28A;
	v11 =	vimm.s32 $0x28B  }
0x7: {  	v12 =	vimm.s32 $0x28C;
	v13 =	vimm.s32 $0x28D;
	v14 =	vimm.s32 $0x28E  }
0x8: {  	v15 =	vimm.s32 $0x28F;
	v16 =	vimm.s32 $0x290;
	v17 =	vimm.s32 $0x291  }
0x9: {  	v18 =	vimm.s32 $0x292;
	v19 =	vimm.s32 $0x293;
	v20 =	vimm.s32 $0x294  }
0xa: {  	v21 =	vimm.s32 $0x295;
	v22 =	vimm.s32 $0x296;
	v23 =	vimm.s32 $0x297  }
0xb: {  	v24 =	vimm.s32 $0x298;
	v25 =	vimm.s32 $0x299;
	v26 =	vimm.s32 $0x29A  }
0xc: {  	v27 =	vimm.s32 $0x29B;
	v28 =	vimm.s32 $0x29C;
	v29 =	vimm.s32 $0x29D  }
0xd: {  	v30 =	vimm.s32 $0x29E;
	v31 =	vimm.s32 $0x29F;
	v0 =	vsel vm4, $0x0, v0  }
0xe: {  	v1 =	vsel vm4, $0x1, v1;
	v2 =	vsel vm4, $0x2, v2;
	v3 =	vsel vm4, $0x3, v3  }
0xf: {  	v4 =	vsel vm4, $0x4, v4;
	v5 =	vsel vm4, $0x5, v5;
	v6 =	vsel vm4, $0x6, v6  }
0x10: {  	v7 =	vsel vm4, $0x7, v7;
	v8 =	vsel vm4, $0x8, v8;
	v9 =	vsel vm4, $0x9, v9  }
0x11: {  	v10 =	vsel vm4, $0xA, v10;
	v11 =	vsel vm4, $0xB, v11;
	v12 =	vsel vm4, $0xC, v12  }
0x12: {  	v13 =	vsel vm4, $0xD, v13;
	v14 =	vsel vm4, $0xE, v14;
	v15 =	vsel vm4, $0xF, v15  }
0x13: {  	v16 =	vsel vm4, $0x10, v16;
	v17 =	vsel vm4, $0x11, v17;
	v18 =	vsel vm4, $0x12, v18  }
0x14: {  	v19 =	vsel vm4, $0x13, v19;
	v20 =	vsel vm4, $0x14, v20;
	v21 =	vsel vm4, $0x15, v21  }
0x15: {  	v22 =	vsel vm4, $0x16, v22;
	v23 =	vsel vm4, $0x17, v23;
	v24 =	vsel vm4, $0x18, v24  }
0x16: {  	v25 =	vsel vm4, $0x19, v25;
	v26 =	vsel vm4, $0x1A, v26;
	v27 =	vsel vm4, $0x1B, v27  }
0x17: {  	v28 =	vsel vm4, $0x1C, v28;
	v29 =	vsel vm4, $0x1D, v29;
	v30 =	vsel vm4, $0x1E, v30  }
0x18: {  	v31 =	vsel vm4, $0x1F, v31;
	v0 =	vsel vm3, $0x80, v0;
	v1 =	vsel vm3, $0x81, v1  }
0x19: {  	v2 =	vsel vm3, $0x82, v2;
	v3 =	vsel vm3, $0x83, v3;
	v4 =	vsel vm3, $0x84, v4  }
0x1a: {  	v5 =	vsel vm3, $0x85, v5;
	v6 =	vsel vm3, $0x86, v6;
	v7 =	vsel vm3, $0x87, v7  }
0x1b: {  	v8 =	vsel vm3, $0x88, v8;
	v9 =	vsel vm3, $0x89, v9;
	v10 =	vsel vm3, $0x8A, v10  }
0x1c: {  	v11 =	vsel vm3, $0x8B, v11;
	v12 =	vsel vm3, $0x8C, v12;
	v13 =	vsel vm3, $0x8D, v13  }
0x1d: {  	v14 =	vsel vm3, $0x8E, v14;
	v15 =	vsel vm3, $0x8F, v15;
	v16 =	vsel vm3, $0x90, v16  }
0x1e: {  	v17 =	vsel vm3, $0x91, v17;
	v18 =	vsel vm3, $0x92, v18;
	v19 =	vsel vm3, $0x93, v19  }
0x1f: {  	v20 =	vsel vm3, $0x94, v20;
	v21 =	vsel vm3, $0x95, v21;
	v22 =	vsel vm3, $0x96, v22  }
0x20: {  	v23 =	vsel vm3, $0x97, v23;
	v24 =	vsel vm3, $0x98, v24;
	v25 =	vsel vm3, $0x99, v25  }
0x21: {  	v26 =	vsel vm3, $0x9A, v26;
	v27 =	vsel vm3, $0x9B, v27;
	v28 =	vsel vm3, $0x9C, v28  }
0x22: {  	v29 =	vsel vm3, $0x9D, v29;
	v30 =	vsel vm3, $0x9E, v30;
	v31 =	vsel vm3, $0x9F, v31  }
0x23: {  	v0 =	vsel vm1, $0x100, v0;
	v1 =	vsel vm1, $0x101, v1;
	v2 =	vsel vm1, $0x102, v2  }
0x24: {  	v3 =	vsel vm1, $0x103, v3;
	v4 =	vsel vm1, $0x104, v4;
	v5 =	vsel vm1, $0x105, v5  }
0x25: {  	v6 =	vsel vm1, $0x106, v6;
	v7 =	vsel vm1, $0x107, v7;
	v8 =	vsel vm1, $0x108, v8  }
0x26: {  	v9 =	vsel vm1, $0x109, v9;
	v10 =	vsel vm1, $0x10A, v10;
	v11 =	vsel vm1, $0x10B, v11  }
0x27: {  	v12 =	vsel vm1, $0x10C, v12;
	v13 =	vsel vm1, $0x10D, v13;
	v14 =	vsel vm1, $0x10E, v14  }
0x28: {  	v15 =	vsel vm1, $0x10F, v15;
	v16 =	vsel vm1, $0x110, v16;
	v17 =	vsel vm1, $0x111, v17  }
0x29: {  	v18 =	vsel vm1, $0x112, v18;
	v19 =	vsel vm1, $0x113, v19;
	v20 =	vsel vm1, $0x114, v20  }
0x2a: {  	v21 =	vsel vm1, $0x115, v21;
	v22 =	vsel vm1, $0x116, v22;
	v23 =	vsel vm1, $0x117, v23  }
0x2b: {  	v24 =	vsel vm1, $0x118, v24;
	v25 =	vsel vm1, $0x119, v25;
	v26 =	vsel vm1, $0x11A, v26  }
0x2c: {  	v27 =	vsel vm1, $0x11B, v27;
	v28 =	vsel vm1, $0x11C, v28;
	v29 =	vsel vm1, $0x11D, v29  }
0x2d: {  	v30 =	vsel vm1, $0x11E, v30;
	v31 =	vsel vm1, $0x11F, v31;
	v0 =	vsel vm2, $0x180, v0  }
0x2e: {  	v1 =	vsel vm2, $0x181, v1;
	v2 =	vsel vm2, $0x182, v2;
	v3 =	vsel vm2, $0x183, v3  }
0x2f: {  	v4 =	vsel vm2, $0x184, v4;
	v5 =	vsel vm2, $0x185, v5;
	v6 =	vsel vm2, $0x186, v6  }
0x30: {  	v7 =	vsel vm2, $0x187, v7;
	v8 =	vsel vm2, $0x188, v8;
	v9 =	vsel vm2, $0x189, v9  }
0x31: {  	v10 =	vsel vm2, $0x18A, v10;
	v11 =	vsel vm2, $0x18B, v11;
	v12 =	vsel vm2, $0x18C, v12  }
0x32: {  	v13 =	vsel vm2, $0x18D, v13;
	v14 =	vsel vm2, $0x18E, v14;
	v15 =	vsel vm2, $0x18F, v15  }
0x33: {  	v16 =	vsel vm2, $0x190, v16;
	v17 =	vsel vm2, $0x191, v17;
	v18 =	vsel vm2, $0x192, v18  }
0x34: {  	v19 =	vsel vm2, $0x193, v19;
	v20 =	vsel vm2, $0x194, v20;
	v21 =	vsel vm2, $0x195, v21  }
0x35: {  	v22 =	vsel vm2, $0x196, v22;
	v23 =	vsel vm2, $0x197, v23;
	v24 =	vsel vm2, $0x198, v24  }
0x36: {  	v25 =	vsel vm2, $0x199, v25;
	v26 =	vsel vm2, $0x19A, v26;
	v27 =	vsel vm2, $0x19B, v27  }
0x37: {  	v28 =	vsel vm2, $0x19C, v28;
	v29 =	vsel vm2, $0x19D, v29;
	v30 =	vsel vm2, $0x19E, v30  }
0x38: {  	v31 =	vsel vm2, $0x19F, v31;
	v0 =	vsel vm0, $0x200, v0;
	v60 =	vsel vm0, $0x201, v1  }
0x39: {  	v61 =	vsel vm0, $0x202, v2;
	v62 =	vsel vm0, $0x203, v3;
	v63 =	vsel vm0, $0x204, v4  }
0x3a: {  	s0 =	rddreg [dreg:$0x1];
	v5 =	vsel vm0, $0x205, v5;
	v6 =	vsel vm0, $0x206, v6;
	v7 =	vsel vm0, $0x207, v7  }
0x3b: {  	s1 =	rddreg [dreg:$0x2];
	v8 =	vsel vm0, $0x208, v8;
	v9 =	vsel vm0, $0x209, v9;
	v10 =	vsel vm0, $0x20A, v10  }
0x3c: {  	s3 =	srdreg.scid;
	s2 =	simm.s32 $0x0;
	s6 =	stileid.u32;
	v11 =	vsel vm0, $0x20B, v11;
	v12 =	vsel vm0, $0x20C, v12;
	v13 =	vsel vm0, $0x20D, v13  }
0x3d: {  	s8 =	simm.s32 $0x1;
	s9 =	simm.s32 $0x2;
	s10 =	simm.s32 $0x2500;
	v14 =	vsel vm0, $0x20E, v14;
	v15 =	vsel vm0, $0x20F, v15;
	v16 =	vsel vm0, $0x210, v16;
	[tilespmem:$0x1FFB0] =	vst v0  }
0x3e: {  	s13 =	simm.s32 $0x500;
	s14 =	simm.s32 $0x3;
	s3 =	sand.u32 $0x1, s3;
	v17 =	vsel vm0, $0x211, v17;
	v18 =	vsel vm0, $0x212, v18;
	v19 =	vsel vm0, $0x213, v19;
	[tilespmem:$0x1FFC0] =	vst v60  }
0x3f: {  	s6 =	sshll.u32 s6, $0x6;
	s4 =	ssub.s32 $0x2, s3;
	s3 =	sshll.u32 s3, $0x5;
	v20 =	vsel vm0, $0x214, v20;
	v21 =	vsel vm0, $0x215, v21;
	v22 =	vsel vm0, $0x216, v22;
	[tilespmem:$0x1FFD0] =	vst v61  }
0x40: {  	s15 =	simm.s32 $0x0;
	s5 =	sshrl.u32 s4, $0x1;
	s3 =	sor.u32 s3, s6;
	v23 =	vsel vm0, $0x217, v23;
	v24 =	vsel vm0, $0x218, v24;
	v25 =	vsel vm0, $0x219, v25;
	[tilespmem:$0x1FFE0] =	vst v62  }
0x41: {  	[smem:$0x7FF] =	sst s2;
	s7 =	ssub.s32 s4, s5;
	s4 =	sadd.s32 s0, s3;
	v26 =	vsel vm0, $0x21A, v26;
	v27 =	vsel vm0, $0x21B, v27;
	v28 =	vsel vm0, $0x21C, v28;
	[tilespmem:$0x1FFF0] =	vst v63  }
0x42: {  	s5 =	sadd.s32 s1, s3;
	s6 =	smax.u32 s7, $0x1;
	v29 =	vsel vm0, $0x21D, v29;
	v30 =	vsel vm0, $0x21E, v30;
	v31 =	vsel vm0, $0x21F, v31;
	_ =	strace $0x80000047  }
.LBB2_1:
0x43: {  	s0 =	rddreg [dreg:$0x0]  }
0x44: {  	[tilespmem:s2], [sflag:$0x1] =	stream.linear.gather [hbm4b:s0+s2], $0x300, $0x38;
	[tilespmem:$0x3500] =	vst v63  }
0x45: {  	s23 =	simm.s32 $0x400  }
0x46: {  	[tilespmem:s23], [sflag:$0x2] =	stream.linear.gather [hbm4b:s4+s2], $0x100, $0x38;
	[tilespmem:$0x3500] =	vst v63  }
0x47: {  	_ =	swait.ge [sflag:s8], $0x300  }
0x48: {  	[sflag:s8] =	ssyncset.done $0x0  }
0x49: {  	[sflag:s8] =	ssyncadd.s32 $0xFFFFFD00  }
0x4a: {  	_ =	swait.ge [sflag:s9], $0x100  }
0x4b: {  	v0 =	vld [tilespmem:$0x1FFB0];
	_ =	sdelay $0x5  }
0x4c: {  	[sflag:s9] =	ssyncset.done $0x0;
	v57 =	vld [tilespmem:$0x1FFC0]  }
0x4d: {  	[sflag:s9] =	ssyncadd.s32 $0xFFFFFF00  }
0x4e: {  	v32 =	vld.idx.msk [tilespmem:v0+s2+$0x0], $0xffff;
	_ =	sdelay $0x3  }
0x4f: {  	v58 =	vld [tilespmem:$0x1FFD0]  }
0x50: {  	[tilespmem:$0x2500] =	vst v32  }
0x51: {  	v32 =	vld.idx.msk [tilespmem:v57+s2+$0x0], $0xffff;
	_ =	sdelay $0x3  }
0x52: {  	v59 =	vld [tilespmem:$0x1FFE0]  }
0x53: {  	[tilespmem:$0x2580] =	vst v32  }
0x54: {  	v32 =	vld.idx.msk [tilespmem:v58+s2+$0x0], $0xffff;
	_ =	sdelay $0x3  }
0x55: {  	v60 =	vld [tilespmem:$0x1FFF0]  }
0x56: {  	[tilespmem:$0x2600] =	vst v32  }
0x57: {  	v32 =	vld.idx.msk [tilespmem:v59+s2+$0x0], $0xffff;
	_ =	sdelay $0x4  }
0x58: {  	[tilespmem:$0x2680] =	vst v32  }
0x59: {  	v32 =	vld.idx.msk [tilespmem:v60+s2+$0x0], $0xffff;
	_ =	sdelay $0x4  }
0x5a: {  	[tilespmem:$0x2700] =	vst v32  }
0x5b: {  	v32 =	vld.idx.msk [tilespmem:v5+s2+$0x0], $0xffff;
	_ =	sdelay $0x4  }
0x5c: {  	[tilespmem:$0x2780] =	vst v32  }
0x5d: {  	v32 =	vld.idx.msk [tilespmem:v6+s2+$0x0], $0xffff;
	_ =	sdelay $0x4  }
0x5e: {  	[tilespmem:$0x2800] =	vst v32  }
0x5f: {  	v32 =	vld.idx.msk [tilespmem:v7+s2+$0x0], $0xffff;
	_ =	sdelay $0x4  }
0x60: {  	[tilespmem:$0x2880] =	vst v32  }
0x61: {  	v32 =	vld.idx.msk [tilespmem:v8+s2+$0x0], $0xffff;
	_ =	sdelay $0x4  }
0x62: {  	[tilespmem:$0x2900] =	vst v32  }
0x63: {  	v32 =	vld.idx.msk [tilespmem:v9+s2+$0x0], $0xffff;
	_ =	sdelay $0x4  }
0x64: {  	[tilespmem:$0x2980] =	vst v32  }
0x65: {  	v32 =	vld.idx.msk [tilespmem:v10+s2+$0x0], $0xffff;
	_ =	sdelay $0x4  }
0x66: {  	[tilespmem:$0x2A00] =	vst v32  }
0x67: {  	v32 =	vld.idx.msk [tilespmem:v11+s2+$0x0], $0xffff;
	_ =	sdelay $0x4  }
0x68: {  	[tilespmem:$0x2A80] =	vst v32  }
0x69: {  	v32 =	vld.idx.msk [tilespmem:v12+s2+$0x0], $0xffff;
	_ =	sdelay $0x4  }
0x6a: {  	[tilespmem:$0x2B00] =	vst v32  }
0x6b: {  	v32 =	vld.idx.msk [tilespmem:v13+s2+$0x0], $0xffff;
	_ =	sdelay $0x4  }
0x6c: {  	[tilespmem:$0x2B80] =	vst v32  }
0x6d: {  	v32 =	vld.idx.msk [tilespmem:v14+s2+$0x0], $0xffff;
	_ =	sdelay $0x4  }
0x6e: {  	[tilespmem:$0x2C00] =	vst v32  }
0x6f: {  	v32 =	vld.idx.msk [tilespmem:v15+s2+$0x0], $0xffff;
	_ =	sdelay $0x4  }
0x70: {  	[tilespmem:$0x2C80] =	vst v32  }
0x71: {  	v32 =	vld.idx.msk [tilespmem:v16+s2+$0x0], $0xffff;
	_ =	sdelay $0x4  }
0x72: {  	[tilespmem:$0x2D00] =	vst v32  }
0x73: {  	v32 =	vld.idx.msk [tilespmem:v17+s2+$0x0], $0xffff;
	_ =	sdelay $0x4  }
0x74: {  	[tilespmem:$0x2D80] =	vst v32  }
0x75: {  	v32 =	vld.idx.msk [tilespmem:v18+s2+$0x0], $0xffff;
	_ =	sdelay $0x4  }
0x76: {  	[tilespmem:$0x2E00] =	vst v32  }
0x77: {  	v32 =	vld.idx.msk [tilespmem:v19+s2+$0x0], $0xffff;
	_ =	sdelay $0x4  }
0x78: {  	[tilespmem:$0x2E80] =	vst v32  }
0x79: {  	v32 =	vld.idx.msk [tilespmem:v20+s2+$0x0], $0xffff;
	_ =	sdelay $0x4  }
0x7a: {  	[tilespmem:$0x2F00] =	vst v32  }
0x7b: {  	v32 =	vld.idx.msk [tilespmem:v21+s2+$0x0], $0xffff;
	_ =	sdelay $0x4  }
0x7c: {  	[tilespmem:$0x2F80] =	vst v32  }
0x7d: {  	v32 =	vld.idx.msk [tilespmem:v22+s2+$0x0], $0xffff;
	_ =	sdelay $0x4  }
0x7e: {  	[tilespmem:$0x3000] =	vst v32  }
0x7f: {  	v32 =	vld.idx.msk [tilespmem:v23+s2+$0x0], $0xffff;
	_ =	sdelay $0x4  }
0x80: {  	[tilespmem:$0x3080] =	vst v32  }
0x81: {  	v32 =	vld.idx.msk [tilespmem:v24+s2+$0x0], $0xffff;
	_ =	sdelay $0x4  }
0x82: {  	[tilespmem:$0x3100] =	vst v32  }
0x83: {  	v32 =	vld.idx.msk [tilespmem:v25+s2+$0x0], $0xffff;
	_ =	sdelay $0x4  }
0x84: {  	[tilespmem:$0x3180] =	vst v32  }
0x85: {  	v32 =	vld.idx.msk [tilespmem:v26+s2+$0x0], $0xffff;
	_ =	sdelay $0x4  }
0x86: {  	[tilespmem:$0x3200] =	vst v32  }
0x87: {  	v32 =	vld.idx.msk [tilespmem:v27+s2+$0x0], $0xffff;
	_ =	sdelay $0x4  }
0x88: {  	[tilespmem:$0x3280] =	vst v32  }
0x89: {  	v32 =	vld.idx.msk [tilespmem:v28+s2+$0x0], $0xffff;
	_ =	sdelay $0x4  }
0x8a: {  	[tilespmem:$0x3300] =	vst v32  }
0x8b: {  	v32 =	vld.idx.msk [tilespmem:v29+s2+$0x0], $0xffff;
	_ =	sdelay $0x4  }
0x8c: {  	[tilespmem:$0x3380] =	vst v32  }
0x8d: {  	v32 =	vld.idx.msk [tilespmem:v30+s2+$0x0], $0xffff;
	_ =	sdelay $0x1  }
0x8e: {  	v37 =	vld [tilespmem:$0x400];
	_ =	sdelay $0x1  }
0x8f: {  	v38 =	vld [tilespmem:$0x410]  }
0x90: {  	v39 =	vld [tilespmem:$0x420];
	[tilespmem:$0x3400] =	vst v32  }
0x91: {  	s24 =	simm.s32 $0x180;
	v32 =	vld.idx.msk [tilespmem:v31+s2+$0x0], $0xffff  }
0x92: {  	s26 =	simm.s32 $0x0;
	v36 =	vld [tilespmem:$0x430];
	v40 =	vadd.s32 s24, v37  }
0x93: {  	s30 =	simm.s32 $0x380;
	v35 =	vld [tilespmem:$0x480];
	v41 =	vadd.s32 s26, v37  }
0x94: {  	s28 =	simm.s32 $0x100;
	v34 =	vld [tilespmem:$0x490];
	v42 =	vadd.s32 s30, v37  }
0x95: {  	s29 =	simm.s32 $0x80;
	v33 =	vld [tilespmem:$0x4A0];
	v44 =	vadd.s32 s28, v37  }
0x96: {  	s1 =	simm.s32 $0x280;
	v43 =	vadd.s32 s29, v37;
	[tilespmem:$0x3480] =	vst v32;
	v32 =	vld [tilespmem:$0x4B0]  }
0x97: {  	s3 =	simm.s32 $0x300;
	v47 =	vadd.s32 s1, v37;
	v40 =	vld.idx.msk [tilespmem:v40+s10+$0x0], $0xffff  }
0x98: {  	s31 =	simm.s32 $0x200;
	v49 =	vadd.s32 s3, v37;
	v41 =	vld.idx.msk [tilespmem:v41+s10+$0x0], $0xffff  }
0x99: {  	v46 =	vadd.s32 s31, v37;
	v42 =	vld.idx.msk [tilespmem:v42+s10+$0x0], $0xffff  }
0x9a: {  	v45 =	vadd.s32 s24, v38;
	v44 =	vld.idx.msk [tilespmem:v44+s10+$0x0], $0xffff  }
0x9b: {  	v48 =	vadd.s32 s30, v38;
	v43 =	vld.idx.msk [tilespmem:v43+s10+$0x0], $0xffff  }
0x9c: {  	s19 =	simm.s32 $0x900;
	v61 =	vadd.s32 s28, v38;
	v62 =	vld.idx.msk [tilespmem:v47+s10+$0x0], $0xffff  }
0x9d: {  	v63 =	vadd.s32 s1, v38;
	v0 =	vld.idx.msk [tilespmem:v49+s10+$0x0], $0xffff;
	[tilespmem:s19+$0xFFFFFF00] =	vst v40  }
0x9e: {  	v1 =	vadd.s32 s3, v38;
	v46 =	vld.idx.msk [tilespmem:v46+s10+$0x0], $0xffff;
	[tilespmem:s19+$0x300] =	vst v42  }
0x9f: {  	v57 =	vadd.s32 s31, v38;
	[tilespmem:s19+$0xFFFFFE00] =	vst v44;
	v45 =	vld.idx.msk [tilespmem:v45+s10+$0x0], $0xffff  }
0xa0: {  	v50 =	vadd.s32 s24, v39;
	[tilespmem:s19+$0xFFFFFD00] =	vst v43;
	v48 =	vld.idx.msk [tilespmem:v48+s10+$0x0], $0xffff  }
0xa1: {  	v58 =	vadd.s32 s26, v38;
	[tilespmem:s19+$0x100] =	vst v62;
	v40 =	vld.idx.msk [tilespmem:v61+s10+$0x0], $0xffff  }
0xa2: {  	v51 =	vadd.s32 s29, v38;
	[tilespmem:s19+$0x200] =	vst v0;
	v47 =	vld.idx.msk [tilespmem:v63+s10+$0x0], $0xffff  }
0xa3: {  	v52 =	vadd.s32 s30, v39;
	[tilespmem:s19+$0x0] =	vst v46;
	v44 =	vld.idx.msk [tilespmem:v1+s10+$0x0], $0xffff  }
0xa4: {  	v2 =	vadd.s32 s28, v39;
	v62 =	vld.idx.msk [tilespmem:v57+s10+$0x0], $0xffff;
	[tilespmem:s19+$0xFFFFFF10] =	vst v45  }
0xa5: {  	v60 =	vadd.s32 s3, v39;
	[tilespmem:s19+$0xFFFFFC00] =	vst v41;
	v45 =	vld.idx.msk [tilespmem:v50+s10+$0x0], $0xffff  }
0xa6: {  	v56 =	vadd.s32 s24, v36;
	[tilespmem:s19+$0x310] =	vst v48;
	v48 =	vld.idx.msk [tilespmem:v58+s10+$0x0], $0xffff  }
0xa7: {  	v1 =	vadd.s32 s26, v39;
	[tilespmem:s19+$0xFFFFFE10] =	vst v40;
	v50 =	vld.idx.msk [tilespmem:v51+s10+$0x0], $0xffff  }
0xa8: {  	v57 =	vadd.s32 s1, v39;
	[tilespmem:s19+$0x210] =	vst v44;
	v52 =	vld.idx.msk [tilespmem:v52+s10+$0x0], $0xffff  }
0xa9: {  	v59 =	vadd.s32 s30, v36;
	[tilespmem:s19+$0x10] =	vst v62;
	v43 =	vld.idx.msk [tilespmem:v2+s10+$0x0], $0xffff  }
0xaa: {  	v0 =	vadd.s32 s31, v39;
	v44 =	vld.idx.msk [tilespmem:v60+s10+$0x0], $0xffff;
	[tilespmem:s19+$0xFFFFFF20] =	vst v45  }
0xab: {  	s17 =	simm.s32 $0x780;
	v61 =	vadd.s32 s28, v36;
	[tilespmem:s19+$0xFFFFFC10] =	vst v48;
	v42 =	vld.idx.msk [tilespmem:v56+s10+$0x0], $0xffff  }
0xac: {  	[tilespmem:s19+$0x110] =	vst v47;
	v62 =	vld.idx.msk [tilespmem:v1+s10+$0x0], $0xffff;
	v1 =	vadd.s32 s17, v37  }
0xad: {  	v63 =	vadd.s32 s24, v35;
	[tilespmem:s19+$0x320] =	vst v52;
	v45 =	vld.idx.msk [tilespmem:v57+s10+$0x0], $0xffff  }
0xae: {  	[tilespmem:s19+$0xFFFFFE20] =	vst v43;
	v40 =	vld.idx.msk [tilespmem:v59+s10+$0x0], $0xffff;
	v56 =	vadd.s32 s29, v39  }
0xaf: {  	v2 =	vadd.s32 s30, v35;
	[tilespmem:s19+$0xFFFFFD10] =	vst v50;
	v59 =	vld.idx.msk [tilespmem:v0+s10+$0x0], $0xffff  }
0xb0: {  	s18 =	simm.s32 $0x480;
	[tilespmem:s19+$0xFFFFFF30] =	vst v42;
	v42 =	vld.idx.msk [tilespmem:v61+s10+$0x0], $0xffff;
	v61 =	vadd.s32 s31, v36  }
0xb1: {  	v50 =	vld.idx.msk [tilespmem:v1+s10+$0x0], $0xffff;
	[tilespmem:s19+$0xFFFFFC20] =	vst v62;
	v62 =	vadd.s32 s18, v37  }
0xb2: {  	s16 =	simm.s32 $0x400;
	v58 =	vld.idx.msk [tilespmem:v63+s10+$0x0], $0xffff;
	v63 =	vadd.s32 s3, v36  }
0xb3: {  	v0 =	vadd.s32 s16, v37;
	[tilespmem:s19+$0x330] =	vst v40;
	v49 =	vld.idx.msk [tilespmem:v56+s10+$0x0], $0xffff  }
0xb4: {  	v57 =	vadd.s32 s1, v36;
	[tilespmem:s19+$0x20] =	vst v59;
	v43 =	vld.idx.msk [tilespmem:v2+s10+$0x0], $0xffff  }
0xb5: {  	v53 =	vadd.s32 s26, v36;
	[tilespmem:s19+$0x220] =	vst v44;
	v46 =	vld.idx.msk [tilespmem:v61+s10+$0x0], $0xffff  }
0xb6: {  	v60 =	vadd.s32 s24, v34;
	[tilespmem:s19+$0xFFFFFE30] =	vst v42;
	v42 =	vld.idx.msk [tilespmem:v62+s10+$0x0], $0xffff  }
0xb7: {  	[tilespmem:s19+$0x120] =	vst v45;
	v2 =	vadd.s32 s28, v35;
	v52 =	vld.idx.msk [tilespmem:v63+s10+$0x0], $0xffff  }
0xb8: {  	v56 =	vadd.s32 s30, v34;
	[tilespmem:s19+$0xFFFFFF80] =	vst v58;
	v58 =	vld.idx.msk [tilespmem:v0+s10+$0x0], $0xffff  }
0xb9: {  	v59 =	vadd.s32 s29, v36;
	v0 =	vld.idx.msk [tilespmem:v57+s10+$0x0], $0xffff  }
0xba: {  	s20 =	simm.s32 $0x600;
	s25 =	simm.s32 $0x1100;
	v61 =	vadd.s32 s31, v35;
	[tilespmem:s19+$0x380] =	vst v43;
	v43 =	vld.idx.msk [tilespmem:v53+s10+$0x0], $0xffff  }
0xbb: {  	s23 =	simm.s32 $0x580;
	[tilespmem:s25+$0x300] =	vst v50;
	v63 =	vadd.s32 s20, v37;
	v48 =	vld.idx.msk [tilespmem:v60+s10+$0x0], $0xffff  }
0xbc: {  	[tilespmem:s19+$0xFFFFFD20] =	vst v49;
	v57 =	vadd.s32 s23, v37;
	v60 =	vld.idx.msk [tilespmem:v2+s10+$0x0], $0xffff  }
0xbd: {  	s22 =	simm.s32 $0x680;
	v62 =	vadd.s32 s18, v38;
	v44 =	vld.idx.msk [tilespmem:v56+s10+$0x0], $0xffff;
	[tilespmem:s19+$0x30] =	vst v46  }
0xbe: {  	s21 =	simm.s32 $0x500;
	v1 =	vadd.s32 s22, v37;
	v2 =	vld.idx.msk [tilespmem:v59+s10+$0x0], $0xffff;
	[tilespmem:s25+$0xFFFFFD00] =	vst v42  }
0xbf: {  	v56 =	vadd.s32 s21, v37;
	[tilespmem:s25+$0xFFFFFC00] =	vst v58;
	v41 =	vld.idx.msk [tilespmem:v61+s10+$0x0], $0xffff  }
0xc0: {  	v59 =	vadd.s32 s17, v38;
	v45 =	vld.idx.msk [tilespmem:v63+s10+$0x0], $0xffff;
	[tilespmem:s19+$0x130] =	vst v0  }
0xc1: {  	v58 =	vadd.s32 s24, v33;
	v63 =	vld.idx.msk [tilespmem:v57+s10+$0x0], $0xffff;
	[tilespmem:s19+$0x230] =	vst v52  }
0xc2: {  	v61 =	vadd.s32 s1, v35;
	v51 =	vld.idx.msk [tilespmem:v62+s10+$0x0], $0xffff;
	[tilespmem:s19+$0xFFFFFC30] =	vst v43  }
0xc3: {  	v0 =	vadd.s32 s3, v35;
	[tilespmem:s19+$0xFFFFFE80] =	vst v60;
	v60 =	vld.idx.msk [tilespmem:v1+s10+$0x0], $0xffff  }
0xc4: {  	v62 =	vadd.s32 s28, v34;
	v47 =	vld.idx.msk [tilespmem:v56+s10+$0x0], $0xffff;
	[tilespmem:s19+$0xFFFFFD30] =	vst v2  }
0xc5: {  	[tilespmem:s19+$0xFFFFFF90] =	vst v48;
	v40 =	vld.idx.msk [tilespmem:v59+s10+$0x0], $0xffff;
	v2 =	vadd.s32 s26, v35  }
0xc6: {  	v57 =	vadd.s32 s23, v38;
	[tilespmem:s19+$0x390] =	vst v44;
	v50 =	vld.idx.msk [tilespmem:v58+s10+$0x0], $0xffff  }
0xc7: {  	v1 =	vadd.s32 s21, v38;
	v56 =	vadd.s32 s24, v32;
	s24 =	simm.s32 $0x700;
	[tilespmem:s19+$0x80] =	vst v41;
	v49 =	vld.idx.msk [tilespmem:v61+s10+$0x0], $0xffff  }
0xc8: {  	v58 =	vadd.s32 s24, v37;
	v59 =	vld.idx.msk [tilespmem:v0+s10+$0x0], $0xffff;
	[tilespmem:s25+$0xFFFFFF00] =	vst v63  }
0xc9: {  	v61 =	vadd.s32 s17, v39;
	[tilespmem:s25+$0x0] =	vst v45;
	v46 =	vld.idx.msk [tilespmem:v62+s10+$0x0], $0xffff  }
0xca: {  	[tilespmem:s25+$0x100] =	vst v60;
	v41 =	vld.idx.msk [tilespmem:v2+s10+$0x0], $0xffff  }
0xcb: {  	[tilespmem:s25+$0xFFFFFE00] =	vst v47;
	v60 =	vadd.s32 s22, v38;
	v63 =	vld.idx.msk [tilespmem:v57+s10+$0x0], $0xffff  }
0xcc: {  	v0 =	vadd.s32 s3, v34;
	[tilespmem:s25+$0xFFFFFD10] =	vst v51;
	v53 =	vld.idx.msk [tilespmem:v1+s10+$0x0], $0xffff  }
0xcd: {  	v2 =	vadd.s32 s16, v38;
	[tilespmem:s25+$0x310] =	vst v40;
	v44 =	vld.idx.msk [tilespmem:v58+s10+$0x0], $0xffff  }
0xce: {  	v57 =	vadd.s32 s31, v34;
	[tilespmem:s19+$0xFFFFFFA0] =	vst v50;
	v40 =	vld.idx.msk [tilespmem:v61+s10+$0x0], $0xffff  }
0xcf: {  	v1 =	vadd.s32 s20, v38;
	[tilespmem:s19+$0x280] =	vst v59;
	v42 =	vld.idx.msk [tilespmem:v56+s10+$0x0], $0xffff  }
0xd0: {  	v58 =	vadd.s32 s23, v39;
	[tilespmem:s19+$0x180] =	vst v49;
	v48 =	vld.idx.msk [tilespmem:v60+s10+$0x0], $0xffff  }
0xd1: {  	v61 =	vadd.s32 s21, v39;
	[tilespmem:s19+$0xFFFFFE90] =	vst v46;
	v45 =	vld.idx.msk [tilespmem:v0+s10+$0x0], $0xffff  }
0xd2: {  	v62 =	vadd.s32 s26, v34;
	[tilespmem:s25+$0xFFFFFF10] =	vst v63;
	v51 =	vld.idx.msk [tilespmem:v2+s10+$0x0], $0xffff  }
0xd3: {  	v56 =	vadd.s32 s29, v35;
	v63 =	vld.idx.msk [tilespmem:v57+s10+$0x0], $0xffff;
	[tilespmem:s19+$0xFFFFFC80] =	vst v41  }
0xd4: {  	v60 =	vadd.s32 s1, v34;
	[tilespmem:s25+$0xFFFFFE10] =	vst v53;
	v0 =	vld.idx.msk [tilespmem:v1+s10+$0x0], $0xffff  }
0xd5: {  	v59 =	vadd.s32 s24, v38;
	[tilespmem:s25+$0x200] =	vst v44;
	v47 =	vld.idx.msk [tilespmem:v58+s10+$0x0], $0xffff  }
0xd6: {  	v57 =	vadd.s32 s17, v36;
	[tilespmem:s25+$0x320] =	vst v40;
	v58 =	vld.idx.msk [tilespmem:v61+s10+$0x0], $0xffff  }
0xd7: {  	v2 =	vadd.s32 s3, v33;
	v40 =	vld.idx.msk [tilespmem:v62+s10+$0x0], $0xffff;
	[tilespmem:s25+$0x110] =	vst v48  }
0xd8: {  	v43 =	vld.idx.msk [tilespmem:v56+s10+$0x0], $0xffff;
	[tilespmem:s19+$0x290] =	vst v45;
	v56 =	vadd.s32 s23, v36  }
0xd9: {  	v44 =	vld.idx.msk [tilespmem:v60+s10+$0x0], $0xffff;
	[tilespmem:s25+$0xFFFFFC10] =	vst v51;
	v60 =	vadd.s32 s30, v33  }
0xda: {  	v1 =	vadd.s32 s29, v34;
	v49 =	vld.idx.msk [tilespmem:v59+s10+$0x0], $0xffff;
	[tilespmem:s19+$0x90] =	vst v63  }
0xdb: {  	v59 =	vadd.s32 s24, v39;
	v46 =	vld.idx.msk [tilespmem:v57+s10+$0x0], $0xffff;
	[tilespmem:s25+$0x10] =	vst v0  }
0xdc: {  	v61 =	vadd.s32 s1, v33;
	v62 =	vld.idx.msk [tilespmem:v2+s10+$0x0], $0xffff;
	[tilespmem:s25+$0xFFFFFF20] =	vst v47  }
0xdd: {  	v0 =	vadd.s32 s28, v33;
	[tilespmem:s25+$0xFFFFFE20] =	vst v58;
	v53 =	vld.idx.msk [tilespmem:v56+s10+$0x0], $0xffff  }
0xde: {  	v2 =	vadd.s32 s26, v33;
	[tilespmem:s19+$0xFFFFFD80] =	vst v43;
	v43 =	vld.idx.msk [tilespmem:v60+s10+$0x0], $0xffff  }
0xdf: {  	v58 =	vadd.s32 s3, v32;
	[tilespmem:s25+$0x210] =	vst v49;
	v41 =	vld.idx.msk [tilespmem:v1+s10+$0x0], $0xffff  }
0xe0: {  	v54 =	vadd.s32 s29, v33;
	[tilespmem:s19+$0x190] =	vst v44;
	v45 =	vld.idx.msk [tilespmem:v59+s10+$0x0], $0xffff  }
0xe1: {  	[tilespmem:s19+$0xFFFFFFB0] =	vst v42;
	v1 =	vadd.s32 s31, v33;
	v57 =	vld.idx.msk [tilespmem:v61+s10+$0x0], $0xffff  }
0xe2: {  	[tilespmem:s19+$0xFFFFFC90] =	vst v40;
	v56 =	vadd.s32 s21, v36;
	v49 =	vld.idx.msk [tilespmem:v0+s10+$0x0], $0xffff  }
0xe3: {  	v63 =	vadd.s32 s1, v32;
	[tilespmem:s19+$0x2A0] =	vst v62;
	v40 =	vld.idx.msk [tilespmem:v2+s10+$0x0], $0xffff  }
0xe4: {  	v0 =	vadd.s32 s30, v32;
	v61 =	vld.idx.msk [tilespmem:v58+s10+$0x0], $0xffff;
	[tilespmem:s19+$0xFFFFFD90] =	vst v41  }
0xe5: {  	v55 =	vadd.s32 s23, v35;
	[tilespmem:s25+$0x330] =	vst v46;
	v59 =	vld.idx.msk [tilespmem:v54+s10+$0x0], $0xffff  }
0xe6: {  	[tilespmem:s25+$0xFFFFFF30] =	vst v53;
	v44 =	vld.idx.msk [tilespmem:v1+s10+$0x0], $0xffff;
	v1 =	vadd.s32 s29, v32  }
0xe7: {  	v60 =	vadd.s32 s28, v32;
	v47 =	vld.idx.msk [tilespmem:v56+s10+$0x0], $0xffff;
	[tilespmem:s19+$0x1A0] =	vst v57  }
0xe8: {  	v2 =	vadd.s32 s31, v32;
	[tilespmem:s19+$0x3A0] =	vst v43;
	v53 =	vld.idx.msk [tilespmem:v63+s10+$0x0], $0xffff  }
0xe9: {  	v62 =	vadd.s32 s26, v32;
	v56 =	vld.idx.msk [tilespmem:v0+s10+$0x0], $0xffff;
	[tilespmem:s19+$0xFFFFFEA0] =	vst v49  }
0xea: {  	v57 =	vadd.s32 s20, v39;
	v49 =	vld.idx.msk [tilespmem:v55+s10+$0x0], $0xffff;
	[tilespmem:s19+$0xFFFFFDA0] =	vst v59  }
0xeb: {  	[tilespmem:s19+$0xFFFFFCA0] =	vst v40;
	v63 =	vadd.s32 s16, v39;
	v46 =	vld.idx.msk [tilespmem:v1+s10+$0x0], $0xffff  }
0xec: {  	v51 =	vld.idx.msk [tilespmem:v60+s10+$0x0], $0xffff;
	[tilespmem:s19+$0xA0] =	vst v44  }
0xed: {  	v52 =	vld.idx.msk [tilespmem:v2+s10+$0x0], $0xffff;
	[tilespmem:s19+$0x1B0] =	vst v53;
	v53 =	vadd.s32 s17, v35  }
0xee: {  	v41 =	vadd.s32 s18, v39;
	v50 =	vld.idx.msk [tilespmem:v62+s10+$0x0], $0xffff;
	[tilespmem:s19+$0x2B0] =	vst v61  }
0xef: {  	v42 =	vadd.s32 s22, v39;
	v43 =	vadd.s32 s20, v36;
	v48 =	vld.idx.msk [tilespmem:v57+s10+$0x0], $0xffff;
	[tilespmem:s19+$0x3B0] =	vst v56  }
0xf0: {  	s28 =	simm.s32 $0x10;
	s26 =	simm.s32 $0x1100;
	v40 =	vadd.s32 s24, v36;
	v44 =	vld.idx.msk [tilespmem:v63+s10+$0x0], $0xffff;
	[tilespmem:s19+$0xFFFFFDB0] =	vst v46;
	v46 =	vadd.s32 s23, v34  }
.LBB2_2:
0xf1: {  	s29 =	sshll.u32 s28, $0x7  }
0xf2: {  	v53 =	vld.idx.msk [tilespmem:v53+s10+$0x0], $0xffff;
	s25 =	sadd.s32 $0x800, s25;
	[tilespmem:s19+$0xB0] =	vst v52;
	s0 =	smov.u32 s28;
	s12 =	sadd.s32 $0x8, s28  }
0xf3: {  	v54 =	vadd.s32 s21, v35;
	v52 =	vadd.s32 s29, v37;
	s30 =	sadd.s32 $0x100, s29;
	s31 =	sadd.s32 $0x280, s29;
	s3 =	sadd.s32 $0x380, s29;
	v41 =	vld.idx.msk [tilespmem:v41+s10+$0x0], $0xffff;
	[tilespmem:s19+$0xFFFFFEB0] =	vst v51  }
0xf4: {  	s1 =	sadd.s32 $0x80, s29;
	s11 =	sadd.s32 $0x180, s29;
	s7 =	sadd.s32 $0x300, s29;
	v51 =	vadd.s32 s31, v37;
	v55 =	vadd.s32 s3, v37;
	v42 =	vld.idx.msk [tilespmem:v42+s10+$0x0], $0xffff;
	[tilespmem:s19+$0xFFFFFCB0] =	vst v50  }
0xf5: {  	p0 =	slt.u32 s28, $0x18;
	s0 =	sadd.s32 $0x200, s29;
	v50 =	vadd.s32 s30, v37;
	v56 =	vadd.s32 s11, v37;
	v57 =	vadd.s32 s7, v37;
	s19 =	smov.u32 s26;
	[tilespmem:s26+$0xFFFFFF80] =	vst v49  }
0xf6: {  	v58 =	vadd.s32 s0, v37;
	v49 =	vadd.s32 s1, v37;
	s26 =	smov.u32 s25;
	v59 =	vld.idx.msk [tilespmem:v46+s10+$0x0], $0xffff;
	[tilespmem:s19+$0x20] =	vst v48  }
0xf7: {  	v43 =	vld.idx.msk [tilespmem:v43+s10+$0x0], $0xffff;
	[tilespmem:s19+$0x220] =	vst v45;
	v45 =	vadd.s32 s17, v34  }
0xf8: {  	v46 =	vadd.s32 s22, v36;
	v40 =	vld.idx.msk [tilespmem:v40+s10+$0x0], $0xffff;
	[tilespmem:s19+$0x380] =	vst v53  }
0xf9: {  	v48 =	vld.idx.msk [tilespmem:v52+s10+$0x0], $0xffff;
	[tilespmem:s19+$0xFFFFFC20] =	vst v44;
	v44 =	vadd.s32 s18, v36  }
0xfa: {  	v52 =	vadd.s32 s29, v38;
	v53 =	vld.idx.msk [tilespmem:v55+s10+$0x0], $0xffff;
	v55 =	vadd.s32 s16, v36;
	[tilespmem:s19+$0xFFFFFE30] =	vst v47  }
0xfb: {  	v47 =	vadd.s32 s20, v35;
	[tilespmem:s19+$0xFFFFFD20] =	vst v41;
	v41 =	vld.idx.msk [tilespmem:v54+s10+$0x0], $0xffff  }
0xfc: {  	v54 =	vadd.s32 s7, v38;
	[tilespmem:s19+$0x120] =	vst v42;
	v42 =	vld.idx.msk [tilespmem:v45+s10+$0x0], $0xffff  }
0xfd: {  	v45 =	vadd.s32 s0, v38;
	[tilespmem:s19+$0x30] =	vst v43;
	v43 =	vld.idx.msk [tilespmem:v46+s10+$0x0], $0xffff  }
0xfe: {  	v60 =	vadd.s32 s3, v38;
	v61 =	vld.idx.msk [tilespmem:v44+s10+$0x0], $0xffff  }
0xff: {  	[tilespmem:s25+$0xFFFFFC00] =	vst v48;
	v48 =	vadd.s32 s1, v38;
	v55 =	vld.idx.msk [tilespmem:v55+s10+$0x0], $0xffff  }
0x100: {  	v62 =	vadd.s32 s11, v38;
	[tilespmem:s25+$0x300] =	vst v53;
	v53 =	vadd.s32 s23, v33;
	v47 =	vld.idx.msk [tilespmem:v47+s10+$0x0], $0xffff  }
0x101: {  	v63 =	vadd.s32 s31, v38;
	v44 =	vadd.s32 s29, v39;
	v49 =	vld.idx.msk [tilespmem:v49+s10+$0x0], $0xffff;
	[tilespmem:s19+$0xFFFFFE80] =	vst v41  }
0x102: {  	v0 =	vadd.s32 s30, v38;
	v58 =	vld.idx.msk [tilespmem:v58+s10+$0x0], $0xffff;
	[tilespmem:s19+$0x390] =	vst v42  }
0x103: {  	v1 =	vadd.s32 s7, v39;
	v51 =	vld.idx.msk [tilespmem:v51+s10+$0x0], $0xffff;
	[tilespmem:s19+$0x130] =	vst v43;
	v43 =	vadd.s32 s22, v35  }
0x104: {  	v46 =	vadd.s32 s0, v39;
	v50 =	vld.idx.msk [tilespmem:v50+s10+$0x0], $0xffff;
	[tilespmem:s19+$0xFFFFFD30] =	vst v61  }
0x105: {  	v61 =	vadd.s32 s3, v39;
	v56 =	vld.idx.msk [tilespmem:v56+s10+$0x0], $0xffff;
	[tilespmem:s19+$0xFFFFFF90] =	vst v59;
	v59 =	vadd.s32 s24, v35  }
0x106: {  	v41 =	vadd.s32 s1, v39;
	v53 =	vld.idx.msk [tilespmem:v53+s10+$0x0], $0xffff;
	[tilespmem:s19+$0x80] =	vst v47  }
0x107: {  	v47 =	vadd.s32 s11, v39;
	[tilespmem:s25+$0xFFFFFD00] =	vst v49;
	v49 =	vld.idx.msk [tilespmem:v60+s10+$0x0], $0xffff;
	v60 =	vadd.s32 s16, v35  }
0x108: {  	v2 =	vadd.s32 s23, v32;
	s23 =	smov.u32 s11;
	v42 =	vadd.s32 s31, v39;
	v3 =	vld.idx.msk [tilespmem:v43+s10+$0x0], $0xffff;
	[tilespmem:s19+$0x230] =	vst v40  }
0x109: {  	v4 =	vadd.s32 s30, v39;
	v48 =	vld.idx.msk [tilespmem:v48+s10+$0x0], $0xffff;
	[tilespmem:s25+$0x100] =	vst v51  }
0x10a: {  	[tilespmem:s25+$0xFFFFFE00] =	vst v50;
	v50 =	vld.idx.msk [tilespmem:v59+s10+$0x0], $0xffff  }
0x10b: {  	v40 =	vadd.s32 s7, v36;
	v0 =	vld.idx.msk [tilespmem:v0+s10+$0x0], $0xffff;
	[tilespmem:s19+$0xFFFFFC30] =	vst v55  }
0x10c: {  	v51 =	vld.idx.msk [tilespmem:v60+s10+$0x0], $0xffff;
	[tilespmem:s19+$0xFFFFFFA0] =	vst v53  }
0x10d: {  	v43 =	vadd.s32 s0, v36;
	v53 =	vadd.s32 s21, v34;
	[tilespmem:s25+$0xFFFFFF00] =	vst v56;
	v2 =	vld.idx.msk [tilespmem:v2+s10+$0x0], $0xffff  }
0x10e: {  	v56 =	vadd.s32 s24, v34;
	v55 =	vld.idx.msk [tilespmem:v62+s10+$0x0], $0xffff;
	[tilespmem:s25+$0x0] =	vst v58  }
0x10f: {  	[tilespmem:s25+$0xFFFFFD10] =	vst v48;
	v48 =	vld.idx.msk [tilespmem:v57+s10+$0x0], $0xffff  }
0x110: {  	v57 =	vld.idx.msk [tilespmem:v63+s10+$0x0], $0xffff;
	[tilespmem:s25+$0x310] =	vst v49  }
0x111: {  	v49 =	vadd.s32 s18, v35;
	[tilespmem:s25+$0xFFFFFE10] =	vst v0;
	v0 =	vld.idx.msk [tilespmem:v61+s10+$0x0], $0xffff  }
0x112: {  	v58 =	vadd.s32 s20, v34;
	v53 =	vld.idx.msk [tilespmem:v53+s10+$0x0], $0xffff;
	[tilespmem:s19+$0x280] =	vst v50  }
0x113: {  	[tilespmem:s19+$0x180] =	vst v3;
	v3 =	vld.idx.msk [tilespmem:v56+s10+$0x0], $0xffff  }
0x114: {  	[tilespmem:s25+$0xFFFFFF10] =	vst v55;
	v45 =	vld.idx.msk [tilespmem:v45+s10+$0x0], $0xffff  }
0x115: {  	v50 =	vld.idx.msk [tilespmem:v52+s10+$0x0], $0xffff;
	[tilespmem:s25+$0x200] =	vst v48;
	v48 =	vadd.s32 s3, v36;
	v52 =	vadd.s32 s22, v34  }
0x116: {  	[tilespmem:s25+$0x110] =	vst v57;
	v49 =	vld.idx.msk [tilespmem:v49+s10+$0x0], $0xffff  }
0x117: {  	[tilespmem:s25+$0x320] =	vst v0;
	v0 =	vadd.s32 s16, v34;
	v55 =	vld.idx.msk [tilespmem:v58+s10+$0x0], $0xffff  }
0x118: {  	v47 =	vld.idx.msk [tilespmem:v47+s10+$0x0], $0xffff;
	[tilespmem:s19+$0xFFFFFC80] =	vst v51;
	v51 =	vadd.s32 s18, v34  }
0x119: {  	v54 =	vld.idx.msk [tilespmem:v54+s10+$0x0], $0xffff;
	[tilespmem:s19+$0x290] =	vst v3;
	v3 =	vadd.s32 s24, v33  }
0x11a: {  	v56 =	vadd.s32 s23, v36;
	[tilespmem:s19+$0xFFFFFE90] =	vst v53;
	v52 =	vld.idx.msk [tilespmem:v52+s10+$0x0], $0xffff  }
0x11b: {  	[tilespmem:s25+$0xFFFFFC10] =	vst v50;
	v4 =	vld.idx.msk [tilespmem:v4+s10+$0x0], $0xffff  }
0x11c: {  	v0 =	vld.idx.msk [tilespmem:v0+s10+$0x0], $0xffff;
	[tilespmem:s19+$0xFFFFFD80] =	vst v49  }
0x11d: {  	v50 =	vadd.s32 s17, v33;
	[tilespmem:s25+$0x10] =	vst v45;
	v49 =	vld.idx.msk [tilespmem:v51+s10+$0x0], $0xffff  }
0x11e: {  	[tilespmem:s25+$0xFFFFFF20] =	vst v47;
	v47 =	vadd.s32 s22, v33;
	v3 =	vld.idx.msk [tilespmem:v3+s10+$0x0], $0xffff  }
0x11f: {  	v53 =	vadd.s32 s21, v33;
	v51 =	vld.idx.msk [tilespmem:v56+s10+$0x0], $0xffff;
	[tilespmem:s25+$0x210] =	vst v54  }
0x120: {  	v54 =	vadd.s32 s18, v33;
	v48 =	vld.idx.msk [tilespmem:v48+s10+$0x0], $0xffff;
	[tilespmem:s19+$0x190] =	vst v52  }
0x121: {  	v45 =	vld.idx.msk [tilespmem:v1+s10+$0x0], $0xffff;
	[tilespmem:s19+$0x90] =	vst v55;
	v1 =	vadd.s32 s20, v33  }
0x122: {  	[tilespmem:s19+$0xFFFFFC90] =	vst v0;
	v0 =	vadd.s32 s16, v33;
	v50 =	vld.idx.msk [tilespmem:v50+s10+$0x0], $0xffff  }
0x123: {  	v52 =	vadd.s32 s30, v36;
	[tilespmem:s19+$0xFFFFFD90] =	vst v49;
	v49 =	vld.idx.msk [tilespmem:v47+s10+$0x0], $0xffff  }
0x124: {  	[tilespmem:s25+$0xFFFFFE20] =	vst v4;
	v4 =	vld.idx.msk [tilespmem:v53+s10+$0x0], $0xffff;
	v53 =	vadd.s32 s24, v32;
	s24 =	smov.u32 s7  }
0x125: {  	[tilespmem:s25+$0xFFFFFF30] =	vst v51;
	v51 =	vld.idx.msk [tilespmem:v54+s10+$0x0], $0xffff;
	v54 =	vadd.s32 s22, v32;
	s22 =	smov.u32 s31  }
0x126: {  	v1 =	vld.idx.msk [tilespmem:v1+s10+$0x0], $0xffff;
	[tilespmem:s19+$0x2A0] =	vst v3;
	v3 =	vadd.s32 s17, v32;
	s17 =	smov.u32 s3  }
0x127: {  	[tilespmem:s25+$0x330] =	vst v48;
	v0 =	vld.idx.msk [tilespmem:v0+s10+$0x0], $0xffff;
	v48 =	vadd.s32 s18, v32;
	s18 =	smov.u32 s1  }
0x128: {  	v47 =	vld.idx.msk [tilespmem:v52+s10+$0x0], $0xffff;
	v52 =	vadd.s32 s20, v32;
	[tilespmem:s19+$0x3A0] =	vst v50;
	s20 =	smov.u32 s0  }
0x129: {  	v50 =	vadd.s32 s21, v32;
	s21 =	smov.u32 s30;
	[tilespmem:s19+$0x1A0] =	vst v49;
	v49 =	vld.idx.msk [tilespmem:v53+s10+$0x0], $0xffff  }
0x12a: {  	v55 =	vadd.s32 s16, v32;
	s16 =	smov.u32 s29;
	[tilespmem:s19+$0xFFFFFFB0] =	vst v2;
	v2 =	vld.idx.msk [tilespmem:v54+s10+$0x0], $0xffff  }
0x12b: {  	v54 =	vadd.s32 s23, v35;
	[tilespmem:s19+$0xFFFFFDA0] =	vst v51;
	v3 =	vld.idx.msk [tilespmem:v3+s10+$0x0], $0xffff  }
0x12c: {  	v56 =	vld.idx.msk [tilespmem:v48+s10+$0x0], $0xffff;
	[tilespmem:s19+$0xA0] =	vst v1  }
0x12d: {  	[tilespmem:s19+$0xFFFFFEA0] =	vst v4;
	v52 =	vld.idx.msk [tilespmem:v52+s10+$0x0], $0xffff  }
.Ltmp0:
0x12e: {  	v53 =	vadd.s32 s17, v35;
	[tilespmem:s19+$0xFFFFFCA0] =	vst v0;
	v51 =	vld.idx.msk [tilespmem:v50+s10+$0x0], $0xffff;
	(pc) =	sbr.rel @p0 .LBB2_2-.Ltmp0, $4  }
0x12f: {  	v50 =	vld.idx.msk [tilespmem:v55+s10+$0x0], $0xffff;
	[tilespmem:s19+$0x2B0] =	vst v49  }
0x130: {  	v49 =	vld.idx.msk [tilespmem:v54+s10+$0x0], $0xffff;
	[tilespmem:s19+$0x1B0] =	vst v2  }
0x131: {  	v48 =	vld.idx.msk [tilespmem:v46+s10+$0x0], $0xffff;
	[tilespmem:s19+$0x3B0] =	vst v3  }
0x132: {  	s28 =	smov.u32 s12;
	v46 =	vadd.s32 s23, v34;
	v44 =	vld.idx.msk [tilespmem:v44+s10+$0x0], $0xffff;
	[tilespmem:s19+$0xFFFFFDB0] =	vst v56  }
0x133: {  	_ =	sdelay $0x1  }
0x134: {  	[tilespmem:s19+$0xB0] =	vst v52  }
0x135: {  	[tilespmem:s19+$0xFFFFFEB0] =	vst v51  }
0x136: {  	v0 =	vld.idx.msk [tilespmem:v53+s10+$0x0], $0xffff;
	[tilespmem:s26+$0x220] =	vst v45  }
0x137: {  	v1 =	vadd.s32 s21, v35;
	v2 =	vld.idx.msk [tilespmem:v42+s10+$0x0], $0xffff;
	[tilespmem:s26+$0xFFFFFE30] =	vst v47  }
0x138: {  	v3 =	vadd.s32 s17, v34;
	v4 =	vld.idx.msk [tilespmem:v41+s10+$0x0], $0xffff;
	[tilespmem:s19+$0xFFFFFCB0] =	vst v50  }
0x139: {  	v37 =	vadd.s32 s22, v36;
	v39 =	vld.idx.msk [tilespmem:v40+s10+$0x0], $0xffff;
	[tilespmem:s26+$0xFFFFFF80] =	vst v49  }
0x13a: {  	v47 =	vadd.s32 s18, v36;
	[tilespmem:s26+$0x20] =	vst v48;
	v50 =	vld.idx.msk [tilespmem:v46+s10+$0x0], $0xffff  }
0x13b: {  	v48 =	vadd.s32 s16, v36;
	v38 =	vld.idx.msk [tilespmem:v43+s10+$0x0], $0xffff;
	[tilespmem:s26+$0x380] =	vst v0  }
0x13c: {  	v52 =	vadd.s32 s23, v33;
	v1 =	vld.idx.msk [tilespmem:v1+s10+$0x0], $0xffff;
	[tilespmem:s26+$0x120] =	vst v2  }
0x13d: {  	[tilespmem:s26+$0xFFFFFD20] =	vst v4;
	v4 =	vadd.s32 s20, v35;
	v49 =	vld.idx.msk [tilespmem:v3+s10+$0x0], $0xffff  }
0x13e: {  	[tilespmem:s26+$0xFFFFFC20] =	vst v44;
	v3 =	vadd.s32 s24, v35;
	v37 =	vld.idx.msk [tilespmem:v37+s10+$0x0], $0xffff  }
0x13f: {  	v57 =	vadd.s32 s21, v34;
	v0 =	vld.idx.msk [tilespmem:v47+s10+$0x0], $0xffff;
	[tilespmem:s26+$0x230] =	vst v39  }
0x140: {  	v51 =	vadd.s32 s22, v35;
	v53 =	vld.idx.msk [tilespmem:v48+s10+$0x0], $0xffff;
	[tilespmem:s26+$0xFFFFFF90] =	vst v50  }
0x141: {  	v54 =	vadd.s32 s18, v35;
	[tilespmem:s26+$0x30] =	vst v38;
	v58 =	vld.idx.msk [tilespmem:v52+s10+$0x0], $0xffff  }
0x142: {  	v43 =	vadd.s32 s17, v33;
	[tilespmem:s26+$0xFFFFFE80] =	vst v1;
	v4 =	vld.idx.msk [tilespmem:v4+s10+$0x0], $0xffff  }
0x143: {  	v55 =	vadd.s32 s16, v35;
	[tilespmem:s26+$0x390] =	vst v49;
	v3 =	vld.idx.msk [tilespmem:v3+s10+$0x0], $0xffff  }
0x144: {  	v60 =	vadd.s32 s20, v34;
	[tilespmem:s26+$0x130] =	vst v37;
	v62 =	vld.idx.msk [tilespmem:v57+s10+$0x0], $0xffff  }
0x145: {  	v56 =	vadd.s32 s24, v34;
	[tilespmem:s26+$0xFFFFFD30] =	vst v0;
	v37 =	vld.idx.msk [tilespmem:v51+s10+$0x0], $0xffff  }
0x146: {  	v45 =	vadd.s32 s23, v32;
	v36 =	vld.idx.msk [tilespmem:v54+s10+$0x0], $0xffff;
	[tilespmem:s26+$0xFFFFFC30] =	vst v53  }
0x147: {  	v49 =	vadd.s32 s21, v33;
	v50 =	vld.idx.msk [tilespmem:v43+s10+$0x0], $0xffff;
	[tilespmem:s26+$0xFFFFFFA0] =	vst v58  }
0x148: {  	v59 =	vadd.s32 s22, v34;
	v2 =	vld.idx.msk [tilespmem:v55+s10+$0x0], $0xffff;
	[tilespmem:s26+$0x80] =	vst v4  }
0x149: {  	[tilespmem:s26+$0x280] =	vst v3;
	v3 =	vadd.s32 s18, v34;
	v1 =	vld.idx.msk [tilespmem:v60+s10+$0x0], $0xffff  }
0x14a: {  	v61 =	vadd.s32 s16, v34;
	[tilespmem:s26+$0xFFFFFE90] =	vst v62;
	v4 =	vld.idx.msk [tilespmem:v56+s10+$0x0], $0xffff  }
0x14b: {  	v48 =	vadd.s32 s20, v33;
	v53 =	vld.idx.msk [tilespmem:v45+s10+$0x0], $0xffff;
	[tilespmem:s26+$0x180] =	vst v37  }
0x14c: {  	v63 =	vadd.s32 s24, v33;
	[tilespmem:s26+$0xFFFFFD80] =	vst v36;
	v37 =	vld.idx.msk [tilespmem:v49+s10+$0x0], $0xffff  }
0x14d: {  	v42 =	vld.idx.msk [tilespmem:v59+s10+$0x0], $0xffff;
	v59 =	vadd.s32 s21, v32;
	[tilespmem:s26+$0xFFFFFC80] =	vst v2  }
0x14e: {  	v44 =	vadd.s32 s22, v33;
	v46 =	vld.idx.msk [tilespmem:v3+s10+$0x0], $0xffff;
	[tilespmem:s26+$0x90] =	vst v1  }
0x14f: {  	v3 =	vld.idx.msk [tilespmem:v61+s10+$0x0], $0xffff;
	[tilespmem:s26+$0x290] =	vst v4;
	v4 =	vadd.s32 s18, v33  }
0x150: {  	[tilespmem:s26+$0x3A0] =	vst v50;
	v35 =	vld.idx.msk [tilespmem:v48+s10+$0x0], $0xffff  }
0x151: {  	v51 =	vadd.s32 s16, v33;
	[tilespmem:s26+$0xFFFFFEA0] =	vst v37;
	v47 =	vld.idx.msk [tilespmem:v63+s10+$0x0], $0xffff  }
0x152: {  	v58 =	vadd.s32 s20, v32;
	[tilespmem:s26+$0x190] =	vst v42;
	v62 =	vld.idx.msk [tilespmem:v59+s10+$0x0], $0xffff  }
0x153: {  	v54 =	vadd.s32 s24, v32;
	v52 =	vld.idx.msk [tilespmem:v44+s10+$0x0], $0xffff;
	[tilespmem:s26+$0xFFFFFD90] =	vst v46  }
0x154: {  	[tilespmem:s26+$0xFFFFFC90] =	vst v3;
	v3 =	vld.idx.msk [tilespmem:v4+s10+$0x0], $0xffff;
	v4 =	vadd.s32 s22, v32  }
0x155: {  	v55 =	vadd.s32 s17, v32;
	[tilespmem:s26+$0xFFFFFFB0] =	vst v53  }
0x156: {  	v56 =	vadd.s32 s18, v32;
	v57 =	vld.idx.msk [tilespmem:v51+s10+$0x0], $0xffff;
	[tilespmem:s26+$0xA0] =	vst v35  }
0x157: {  	v60 =	vadd.s32 s16, v32;
	[tilespmem:s26+$0x2A0] =	vst v47;
	v1 =	vld.idx.msk [tilespmem:v58+s10+$0x0], $0xffff  }
0x158: {  	[tilespmem:s26+$0x1A0] =	vst v52;
	v2 =	vld.idx.msk [tilespmem:v54+s10+$0x0], $0xffff  }
0x159: {  	[tilespmem:s26+$0xFFFFFEB0] =	vst v62;
	v4 =	vld.idx.msk [tilespmem:v4+s10+$0x0], $0xffff  }
0x15a: {  	[tilespmem:s26+$0xFFFFFDA0] =	vst v3;
	v3 =	vld.idx.msk [tilespmem:v55+s10+$0x0], $0xffff  }
0x15b: {  	[tilespmem:s26+$0xFFFFFCA0] =	vst v57;
	v61 =	vld.idx.msk [tilespmem:v56+s10+$0x0], $0xffff  }
0x15c: {  	v63 =	vld.idx.msk [tilespmem:v60+s10+$0x0], $0xffff;
	[tilespmem:s26+$0xB0] =	vst v1  }
0x15d: {  	[tilespmem:s26+$0x2B0] =	vst v2  }
0x15e: {  	[tilespmem:s26+$0x1B0] =	vst v4  }
0x15f: {  	s15 =	sadd.s32 $0x1, s15;
	[tilespmem:s26+$0x3B0] =	vst v3  }
0x160: {  	p0 =	sne.s32 s15, s6;
	[tilespmem:s26+$0xFFFFFDB0] =	vst v61  }
.Ltmp1:
0x161: {  	s0 =	simm.s32 $0x100;
	s1 =	simm.s32 $0x2000;
	[tilespmem:s26+$0xFFFFFCB0] =	vst v63;
	(pc) =	sbr.rel @p0 .LBB2_1-.Ltmp1, $4  }
0x162: {  	[hbm4b:s5+s0] =	stream.strided.scatter [tilespmem:s13], [sflag:$0x3], $0x2000, s1, s0, $0x38;
	[tilespmem:$0x3500] =	vst v63  }
0x163: {  	_ =	swait.ge [sflag:s14], $0x2000  }
0x164: {  	[sflag:s14] =	ssyncset.done $0x0  }
0x165: {  	[sflag:s14] =	ssyncadd.s32 $0xFFFFE000  }
0x166: {  	_ =	sfence.sel $0x180000  }
0x167: {  	[bflag:$0x0] =	sbarrier.arrive $0xFFFF  }
0x168: {  	_ =	strace $0x90000047  }
0x169: {  	s0 =	stileid.u32;
	[bflag:$0x2] =	sbarrier.arrive $0xFFFF  }
0x16a: {  	p0 =	sne.s32 s0, $0x0;
	s0 =	rddreg [dreg:$0x3]  }
0x16b: {  	s0 =	sadd.s32 @!p0 $0x100000, s0  }
0x16c: {  	[sflag:s0] =	ssyncadd.tile.s32 @!p0 $0x1;
	_ =	shalt  }
.Lfunc_end2:
_tile_overlayer_lowered:
.L_overlay_start_2:
0x16d: {  	(tag) =	ssettag $0x2  }
0x16e: {  	s0 =	rddreg [dreg:$0x0];
	s2 =	stileid.u32  }
0x16f: {  	s1 =	rddreg [dreg:$0x1];
	p0 =	sne.s32 s2, $0x0  }
0x170: {  	s3 =	rddreg [dreg:$0x2];
	[bflag:$0x3] =	sbarrier.arrive $0xFFFF;
	s2 =	simm.s32 @!p0 $0x1C03  }
0x171: {  	[timem:s3], [sflag:s2] =	dma.local @!p0 [hbm:s0], s1  }
0x172: {  	s0 =	simm.s32 @!p0 $0x3  }
0x173: {  	_ =	swait.ge @!p0 [sflag:s0], s1  }
0x174: {  	s1 =	ssub.s32 @!p0 $0x0, s1;
	[sflag:s0] =	ssyncset.done @!p0 $0x0  }
0x175: {  	[sflag:s0] =	ssyncadd.s32 @!p0 s1  }
0x176: {  	[bflag:$0x3] =	sbarrier.arrive $0xFFFF  }
0x177: {  	_ =	shalt  }

</sc_bundles>
